<compile_context>
chip_gen: v7x
topology: tpu7x:2x2x1
jax: 0.10.2.dev20260603
libtpu: 0.0.44.dev20260713+nightly
codegen_flags: <defaults>
</compile_context>

<pallas_src>
import functools

import jax
import jax.numpy as jnp
from jax import lax
from jax.experimental import pallas as pl
from jax.experimental.pallas import tpu as pltpu
from jax.experimental.pallas import tpu_sc as plsc

_SCALES = (1, 4, 16, 64, 144, 576)
_K = 8192
_C = 64
_NW = 32
_SC_CHUNK = {8: 8, 16: 16, 64: 64, 144: 72, 576: 96}


def _sc_gather(emb, idx, r_pad):
    b_per_w = r_pad // _NW
    chunk = _SC_CHUNK[b_per_w]
    nch = b_per_w // chunk
    mesh = plsc.VectorSubcoreMesh(core_axis_name="c", subcore_axis_name="s")

    @functools.partial(
        pl.kernel, mesh=mesh,
        out_type=jax.ShapeDtypeStruct((r_pad, 2 * _C), jnp.float32),
        scratch_types=[
            pltpu.VMEM((b_per_w,), jnp.int32),
            pltpu.VMEM((b_per_w, 2 * _C), jnp.float32),
            pltpu.SemaphoreType.DMA,
        ],
    )
    def k(table_hbm, idx_hbm, out_hbm, idx_v, rows_v, sem):
        wid = lax.axis_index("s") * 2 + lax.axis_index("c")
        base = wid * b_per_w
        pltpu.sync_copy(idx_hbm.at[pl.ds(base, b_per_w)], idx_v)
        copies = []
        for j in range(nch):
            copies.append(pltpu.async_copy(
                table_hbm.at[idx_v.at[pl.ds(j * chunk, chunk)]],
                rows_v.at[pl.ds(j * chunk, chunk)], sem))
        for cp in copies:
            cp.wait()
        pltpu.sync_copy(rows_v, out_hbm.at[pl.ds(base, b_per_w)])

    return k(emb, idx)


def _gather_rows(emb, idx_N):
    R = idx_N.shape[0]
    r_pad = max(R, 256)
    idx_p = jnp.pad(idx_N, (0, r_pad - R)) if r_pad != R else idx_N
    pairs = _sc_gather(emb.reshape(_K // 2, 2 * _C), idx_p // 2, r_pad)[:R]
    return jnp.where((idx_N % 2 == 1)[:, None], pairs[:, _C:], pairs[:, :_C])


def _area_down(x, pn):
    b, c, n = x.shape
    return x.reshape(b, c, pn, n // pn).mean(axis=-1)


def _linear_up(x, out_size):
    n = x.shape[-1]
    scale = n / out_size
    coords = (jnp.arange(out_size, dtype=jnp.float32) + 0.5) * scale - 0.5
    coords = jnp.clip(coords, 0.0, float(n - 1))
    lo = jnp.floor(coords).astype(jnp.int32)
    hi = jnp.minimum(lo + 1, n - 1)
    w = coords - lo.astype(jnp.float32)
    return x[..., lo] * (1.0 - w) + x[..., hi] * w


def _dist_argmin_body(rest_ref, rsq_ref, emb_ref, esq_ref, idx_ref):
    rest = rest_ref[...]
    emb = emb_ref[...]
    mm = lax.dot_general(rest, emb, (((1,), (1,)), ((), ())),
                         preferred_element_type=jnp.float32)
    scores = (rsq_ref[...] + esq_ref[...]) - 2.0 * mm
    mins = jnp.min(scores, axis=1, keepdims=True)
    cand = jnp.where(scores == mins,
                     lax.broadcasted_iota(jnp.int32, scores.shape, 1), _K)
    idx_ref[0, 0, :] = jnp.min(cand, axis=1)


def _dist_argmin(rest, rsq, emb, esq):
    R = rest.shape[0]
    RB = R if R <= 512 else 512
    nb = R // RB
    idx3 = pl.pallas_call(
        _dist_argmin_body,
        grid=(nb,),
        in_specs=[
            pl.BlockSpec((RB, _C), lambda i: (i, 0)),
            pl.BlockSpec((RB, 1), lambda i: (i, 0)),
            pl.BlockSpec((_K, _C), lambda i: (0, 0)),
            pl.BlockSpec((1, _K), lambda i: (0, 0)),
        ],
        out_specs=pl.BlockSpec((1, 1, RB), lambda i: (i, 0, 0)),
        out_shape=jax.ShapeDtypeStruct((nb, 1, RB), jnp.int32),
    )(rest, rsq, emb, esq)
    return idx3.reshape(R)


def kernel(f_BNC, emb_weight):
    f_BCN = jnp.transpose(f_BNC, (0, 2, 1))
    b, c, n = f_BCN.shape
    f_rest = f_BCN
    f_hat = jnp.zeros_like(f_rest)
    esq = jnp.sum(jnp.square(emb_weight), axis=1)
    mean_q_latent_loss = jnp.float32(0.0)
    mean_commitment_loss = jnp.float32(0.0)
    SN = len(_SCALES)
    for pn in _SCALES:
        rest_NC = jnp.transpose(_area_down(f_rest, pn), (0, 2, 1)).reshape(-1, c)
        if pn == 576:
            d_no_grad = (jnp.sum(jnp.square(rest_NC), axis=1, keepdims=True)
                         + esq - 2.0 * (rest_NC @ emb_weight.T))
            idx_N = jnp.argmin(d_no_grad, axis=1)
        else:
            rsq = jnp.sum(jnp.square(rest_NC), axis=1, keepdims=True)
            idx_N = _dist_argmin(rest_NC, rsq, emb_weight, esq[None, :])
        rows = _gather_rows(emb_weight, idx_N).reshape(b, pn, c)
        h_BChw = _linear_up(jnp.transpose(rows, (0, 2, 1)), n)
        f_hat = f_hat + h_BChw
        f_rest = f_rest - h_BChw
        mean_commitment_loss = mean_commitment_loss + jnp.mean(jnp.square(f_hat - f_BCN)) * 0.25
        mean_q_latent_loss = mean_q_latent_loss + jnp.mean(jnp.square(f_hat - f_BCN))
    mean_commitment_loss = mean_commitment_loss * (1.0 / SN)
    mean_q_latent_loss = mean_q_latent_loss * (1.0 / SN)
    f_hat = (f_hat - f_BCN) + f_BCN
    f_hat = jnp.transpose(f_hat, (0, 2, 1))
    return (f_hat, mean_commitment_loss, mean_q_latent_loss)

# --- scband reference (transcript-rebuilt; emitter-appended) ---
"""Pipeline reference for scband-vector-quantizer-17377437679659 (READ-ONLY COPY).

The authoritative reference and input builder live on the scoring server;
editing this copy changes nothing except your own understanding.
"""

import jax, jax.numpy as jnp
import numpy as np

SCALES = [1, 4, 16, 64, 144, 576]
B, N, C, K = 32, 576, 64, 8192


def setup_inputs(seed: int = 0) -> dict:
    key = jax.random.key(seed)
    k1, k2 = jax.random.split(key)
    f_BNC = jax.random.normal(k1, (B, N, C), dtype=jnp.float32)
    emb_weight = jax.random.uniform(k2, (K, C), dtype=jnp.float32, minval=-1.0 / K, maxval=1.0 / K)
    return {"f_BNC": f_BNC, "emb_weight": emb_weight}


def _area_down(x, pn):
    # F.interpolate(mode='area') == adaptive avg pool; exact block mean when n % pn == 0
    b, c, n = x.shape
    return x.reshape(b, c, pn, n // pn).mean(axis=-1)


def _linear_up(x, out_size):
    # F.interpolate(mode='linear', align_corners=False)
    n = x.shape[-1]
    scale = n / out_size
    coords = (jnp.arange(out_size, dtype=jnp.float32) + 0.5) * scale - 0.5
    coords = jnp.clip(coords, 0.0, float(n - 1))
    lo = jnp.floor(coords).astype(jnp.int32)
    hi = jnp.minimum(lo + 1, n - 1)
    w = coords - lo.astype(jnp.float32)
    return x[..., lo] * (1.0 - w) + x[..., hi] * w


def reference(f_BNC, emb_weight):
    f_BCN = jnp.transpose(f_BNC, (0, 2, 1))
    b, c, n = f_BCN.shape
    f_no_grad = jax.lax.stop_gradient(f_BCN)
    f_rest = f_no_grad
    f_hat = jnp.zeros_like(f_rest)
    emb_ng = jax.lax.stop_gradient(emb_weight)
    mean_q_latent_loss = jnp.float32(0.0)
    mean_commitment_loss = jnp.float32(0.0)
    SN = len(SCALES)
    for pn in SCALES:
        rest_NC = jnp.transpose(_area_down(f_rest, pn), (0, 2, 1)).reshape(-1, c)
        d_no_grad = (jnp.sum(jnp.square(rest_NC), axis=1, keepdims=True)
                     + jnp.sum(jnp.square(emb_ng), axis=1)
                     - 2.0 * (rest_NC @ emb_ng.T))
        idx_N = jnp.argmin(d_no_grad, axis=1)
        idx_Bhw = idx_N.reshape(b, pn)
        h_BChw = _linear_up(jnp.transpose(emb_weight[idx_Bhw], (0, 2, 1)), n)
        f_hat = f_hat + h_BChw
        f_rest = f_rest - h_BChw
        mean_commitment_loss = mean_commitment_loss + jnp.mean(jnp.square(jax.lax.stop_gradient(f_hat) - f_BCN)) * 0.25
        mean_q_latent_loss = mean_q_latent_loss + jnp.mean(jnp.square(f_hat - f_no_grad))
    mean_commitment_loss = mean_commitment_loss * (1.0 / SN)
    mean_q_latent_loss = mean_q_latent_loss * (1.0 / SN)
    f_hat = (jax.lax.stop_gradient(f_hat) - f_no_grad) + f_BCN
    f_hat = jnp.transpose(f_hat, (0, 2, 1))
    return (f_hat, mean_commitment_loss, mean_q_latent_loss)

if __name__ == "__main__":
    import jax
    _d = setup_inputs()
    print(jax.jit(kernel)(*tuple(_d.values())))

</pallas_src>

<mosaic_0001>
#map = affine_map<(d0, d1) -> (0, 0)>
#map1 = affine_map<(d0, d1) -> (0)>
module attributes {stable_mosaic.version = 14 : i64} {
  func.func @k(%arg0: i32, %arg1: i32, %arg2: memref<4096x128xf32, #tpu.memory_space<hbm>>, %arg3: memref<2048xi32, #tpu.memory_space<hbm>>, %arg4: memref<2048x128xf32, #tpu.memory_space<hbm>>, %arg5: memref<64xi32, #tpu.memory_space<vmem>>, %arg6: memref<64x128xf32, #tpu.memory_space<vmem>>, %arg7: memref<!tpu.dma_semaphore, #tpu.memory_space<semaphore_mem>>) attributes {dimension_semantics = [#tpu.dimension_semantics<core_parallel>, #tpu.dimension_semantics<subcore_parallel>], iteration_bounds = array<i64: 2, 16>, scalar_prefetch = 0 : i64, scratch_operands = 3 : i64, tpu.core_type = #tpu.core_type<sc_vector_subcore>, window_params = [{transform_indices = #map}, {transform_indices = #map1}, {transform_indices = #map}]} {
    %mul3A = arith.constant 2 : i32
    %mul3A_0 = arith.muli %arg1, %mul3A : i32
    %add3A = arith.addi %mul3A_0, %arg0 : i32
    %mul3A_1 = arith.constant 64 : i32
    %mul3A_2 = arith.muli %add3A, %mul3A_1 : i32
    "tpu.region"() ({
      %run_scoped3A = tpu.sem_alloc : memref<!tpu.dma_semaphore, #tpu.memory_space<semaphore_mem>>
      %dma_start3A_17 = tpu.memref_slice %arg3[%mul3A_2] : memref<2048xi32, #tpu.memory_space<hbm>> -> memref<64xi32, #tpu.memory_space<hbm>>
      %dma_start3A_18 = tpu.memref_slice %arg3[%mul3A_2] : memref<2048xi32, #tpu.memory_space<hbm>> -> memref<64xi32, #tpu.memory_space<hbm>>
      tpu.enqueue_dma source(%dma_start3A_18 : memref<64xi32, #tpu.memory_space<hbm>>) target(%arg5 : memref<64xi32, #tpu.memory_space<vmem>>) target_semaphore(%run_scoped3A : memref<!tpu.dma_semaphore, #tpu.memory_space<semaphore_mem>>)
      %dma_wait3A_19 = tpu.memref_slice %arg3[%mul3A_2] : memref<2048xi32, #tpu.memory_space<hbm>> -> memref<64xi32, #tpu.memory_space<hbm>>
      %dma_wait3A_20 = tpu.memref_slice %arg3[%mul3A_2] : memref<2048xi32, #tpu.memory_space<hbm>> -> memref<64xi32, #tpu.memory_space<hbm>>
      tpu.wait_dma2 semaphore(%run_scoped3A : memref<!tpu.dma_semaphore, #tpu.memory_space<semaphore_mem>>) src(%dma_wait3A_20 : memref<64xi32, #tpu.memory_space<hbm>>) dst(%arg5 : memref<64xi32, #tpu.memory_space<vmem>>)
      tpu.yield
    }) : () -> ()
    %dma_start3A = arith.constant 0 : i32
    %dma_start3A_3 = arith.constant 0 : i32
    %dma_start3A_4 = tpu.memref_slice %arg6[%dma_start3A, %dma_start3A_3] : memref<64x128xf32, #tpu.memory_space<vmem>> -> memref<64x128xf32, #tpu.memory_space<vmem>>
    %dma_start3A_5 = arith.constant 0 : i32
    %dma_start3A_6 = tpu.memref_slice %arg5[%dma_start3A_5] : memref<64xi32, #tpu.memory_space<vmem>> -> memref<64xi32, #tpu.memory_space<vmem>>
    %dma_start3A_7 = arith.constant 0 : i32
    %dma_start3A_8 = arith.constant 0 : i32
    %dma_start3A_9 = tpu.memref_slice %arg2[%dma_start3A_7, %dma_start3A_8] : memref<4096x128xf32, #tpu.memory_space<hbm>> -> memref<4096x128xf32, #tpu.memory_space<hbm>>
    tpu.enqueue_indirect_dma source(%dma_start3A_9 : memref<4096x128xf32, #tpu.memory_space<hbm>>) target(%dma_start3A_4 : memref<64x128xf32, #tpu.memory_space<vmem>>) offsets(%dma_start3A_6 : memref<64xi32, #tpu.memory_space<vmem>>) semaphore(%arg7 : memref<!tpu.dma_semaphore, #tpu.memory_space<semaphore_mem>>)
    %dma_wait3A = arith.constant 0 : i32
    %dma_wait3A_10 = arith.constant 0 : i32
    %dma_wait3A_11 = tpu.memref_slice %arg6[%dma_wait3A, %dma_wait3A_10] : memref<64x128xf32, #tpu.memory_space<vmem>> -> memref<64x128xf32, #tpu.memory_space<vmem>>
    %dma_wait3A_12 = arith.constant 0 : i32
    %dma_wait3A_13 = tpu.memref_slice %arg5[%dma_wait3A_12] : memref<64xi32, #tpu.memory_space<vmem>> -> memref<64xi32, #tpu.memory_space<vmem>>
    %dma_wait3A_14 = arith.constant 0 : i32
    %dma_wait3A_15 = arith.constant 0 : i32
    %dma_wait3A_16 = tpu.memref_slice %arg2[%dma_wait3A_14, %dma_wait3A_15] : memref<4096x128xf32, #tpu.memory_space<hbm>> -> memref<4096x128xf32, #tpu.memory_space<hbm>>
    tpu.wait_indirect_dma semaphore(%arg7 : memref<!tpu.dma_semaphore, #tpu.memory_space<semaphore_mem>>) src(%dma_wait3A_16 : memref<4096x128xf32, #tpu.memory_space<hbm>>) dst(%dma_wait3A_11 : memref<64x128xf32, #tpu.memory_space<vmem>>)
    "tpu.region"() ({
      %run_scoped3A = tpu.sem_alloc : memref<!tpu.dma_semaphore, #tpu.memory_space<semaphore_mem>>
      %dma_start3A_17 = arith.constant 0 : i32
      %dma_start3A_18 = tpu.memref_slice %arg4[%mul3A_2, %dma_start3A_17] : memref<2048x128xf32, #tpu.memory_space<hbm>> -> memref<64x128xf32, #tpu.memory_space<hbm>>
      %dma_start3A_19 = arith.constant 0 : i32
      %dma_start3A_20 = tpu.memref_slice %arg4[%mul3A_2, %dma_start3A_19] : memref<2048x128xf32, #tpu.memory_space<hbm>> -> memref<64x128xf32, #tpu.memory_space<hbm>>
      tpu.enqueue_dma source(%arg6 : memref<64x128xf32, #tpu.memory_space<vmem>>) target(%dma_start3A_20 : memref<64x128xf32, #tpu.memory_space<hbm>>) target_semaphore(%run_scoped3A : memref<!tpu.dma_semaphore, #tpu.memory_space<semaphore_mem>>)
      %dma_wait3A_21 = arith.constant 0 : i32
      %dma_wait3A_22 = tpu.memref_slice %arg4[%mul3A_2, %dma_wait3A_21] : memref<2048x128xf32, #tpu.memory_space<hbm>> -> memref<64x128xf32, #tpu.memory_space<hbm>>
      %dma_wait3A_23 = arith.constant 0 : i32
      %dma_wait3A_24 = tpu.memref_slice %arg4[%mul3A_2, %dma_wait3A_23] : memref<2048x128xf32, #tpu.memory_space<hbm>> -> memref<64x128xf32, #tpu.memory_space<hbm>>
      tpu.wait_dma2 semaphore(%run_scoped3A : memref<!tpu.dma_semaphore, #tpu.memory_space<semaphore_mem>>) src(%arg6 : memref<64x128xf32, #tpu.memory_space<vmem>>) dst(%dma_wait3A_24 : memref<64x128xf32, #tpu.memory_space<hbm>>)
      tpu.yield
    }) : () -> ()
    return
  }
}

#map = affine_map<(d0, d1) -> (0, 0)>
#map1 = affine_map<(d0, d1) -> (0)>
module attributes {stable_mosaic.version = 14 : i64} {
  func.func @k(%arg0: i32, %arg1: i32, %arg2: memref<4096x128xf32, #tpu.memory_space<hbm>>, %arg3: memref<256xi32, #tpu.memory_space<hbm>>, %arg4: memref<256x128xf32, #tpu.memory_space<hbm>>, %arg5: memref<8xi32, #tpu.memory_space<vmem>>, %arg6: memref<8x128xf32, #tpu.memory_space<vmem>>, %arg7: memref<!tpu.dma_semaphore, #tpu.memory_space<semaphore_mem>>) attributes {dimension_semantics = [#tpu.dimension_semantics<core_parallel>, #tpu.dimension_semantics<subcore_parallel>], iteration_bounds = array<i64: 2, 16>, scalar_prefetch = 0 : i64, scratch_operands = 3 : i64, tpu.core_type = #tpu.core_type<sc_vector_subcore>, window_params = [{transform_indices = #map}, {transform_indices = #map1}, {transform_indices = #map}]} {
    %mul3A = arith.constant 2 : i32
    %mul3A_0 = arith.muli %arg1, %mul3A : i32
    %add3A = arith.addi %mul3A_0, %arg0 : i32
    %mul3A_1 = arith.constant 8 : i32
    %mul3A_2 = arith.muli %add3A, %mul3A_1 : i32
    "tpu.region"() ({
      %run_scoped3A = tpu.sem_alloc : memref<!tpu.dma_semaphore, #tpu.memory_space<semaphore_mem>>
      %dma_start3A_17 = tpu.memref_slice %arg3[%mul3A_2] : memref<256xi32, #tpu.memory_space<hbm>> -> memref<8xi32, #tpu.memory_space<hbm>>
      %dma_start3A_18 = tpu.memref_slice %arg3[%mul3A_2] : memref<256xi32, #tpu.memory_space<hbm>> -> memref<8xi32, #tpu.memory_space<hbm>>
      tpu.enqueue_dma source(%dma_start3A_18 : memref<8xi32, #tpu.memory_space<hbm>>) target(%arg5 : memref<8xi32, #tpu.memory_space<vmem>>) target_semaphore(%run_scoped3A : memref<!tpu.dma_semaphore, #tpu.memory_space<semaphore_mem>>)
      %dma_wait3A_19 = tpu.memref_slice %arg3[%mul3A_2] : memref<256xi32, #tpu.memory_space<hbm>> -> memref<8xi32, #tpu.memory_space<hbm>>
      %dma_wait3A_20 = tpu.memref_slice %arg3[%mul3A_2] : memref<256xi32, #tpu.memory_space<hbm>> -> memref<8xi32, #tpu.memory_space<hbm>>
      tpu.wait_dma2 semaphore(%run_scoped3A : memref<!tpu.dma_semaphore, #tpu.memory_space<semaphore_mem>>) src(%dma_wait3A_20 : memref<8xi32, #tpu.memory_space<hbm>>) dst(%arg5 : memref<8xi32, #tpu.memory_space<vmem>>)
      tpu.yield
    }) : () -> ()
    %dma_start3A = arith.constant 0 : i32
    %dma_start3A_3 = arith.constant 0 : i32
    %dma_start3A_4 = tpu.memref_slice %arg6[%dma_start3A, %dma_start3A_3] : memref<8x128xf32, #tpu.memory_space<vmem>> -> memref<8x128xf32, #tpu.memory_space<vmem>>
    %dma_start3A_5 = arith.constant 0 : i32
    %dma_start3A_6 = tpu.memref_slice %arg5[%dma_start3A_5] : memref<8xi32, #tpu.memory_space<vmem>> -> memref<8xi32, #tpu.memory_space<vmem>>
    %dma_start3A_7 = arith.constant 0 : i32
    %dma_start3A_8 = arith.constant 0 : i32
    %dma_start3A_9 = tpu.memref_slice %arg2[%dma_start3A_7, %dma_start3A_8] : memref<4096x128xf32, #tpu.memory_space<hbm>> -> memref<4096x128xf32, #tpu.memory_space<hbm>>
    tpu.enqueue_indirect_dma source(%dma_start3A_9 : memref<4096x128xf32, #tpu.memory_space<hbm>>) target(%dma_start3A_4 : memref<8x128xf32, #tpu.memory_space<vmem>>) offsets(%dma_start3A_6 : memref<8xi32, #tpu.memory_space<vmem>>) semaphore(%arg7 : memref<!tpu.dma_semaphore, #tpu.memory_space<semaphore_mem>>)
    %dma_wait3A = arith.constant 0 : i32
    %dma_wait3A_10 = arith.constant 0 : i32
    %dma_wait3A_11 = tpu.memref_slice %arg6[%dma_wait3A, %dma_wait3A_10] : memref<8x128xf32, #tpu.memory_space<vmem>> -> memref<8x128xf32, #tpu.memory_space<vmem>>
    %dma_wait3A_12 = arith.constant 0 : i32
    %dma_wait3A_13 = tpu.memref_slice %arg5[%dma_wait3A_12] : memref<8xi32, #tpu.memory_space<vmem>> -> memref<8xi32, #tpu.memory_space<vmem>>
    %dma_wait3A_14 = arith.constant 0 : i32
    %dma_wait3A_15 = arith.constant 0 : i32
    %dma_wait3A_16 = tpu.memref_slice %arg2[%dma_wait3A_14, %dma_wait3A_15] : memref<4096x128xf32, #tpu.memory_space<hbm>> -> memref<4096x128xf32, #tpu.memory_space<hbm>>
    tpu.wait_indirect_dma semaphore(%arg7 : memref<!tpu.dma_semaphore, #tpu.memory_space<semaphore_mem>>) src(%dma_wait3A_16 : memref<4096x128xf32, #tpu.memory_space<hbm>>) dst(%dma_wait3A_11 : memref<8x128xf32, #tpu.memory_space<vmem>>)
    "tpu.region"() ({
      %run_scoped3A = tpu.sem_alloc : memref<!tpu.dma_semaphore, #tpu.memory_space<semaphore_mem>>
      %dma_start3A_17 = arith.constant 0 : i32
      %dma_start3A_18 = tpu.memref_slice %arg4[%mul3A_2, %dma_start3A_17] : memref<256x128xf32, #tpu.memory_space<hbm>> -> memref<8x128xf32, #tpu.memory_space<hbm>>
      %dma_start3A_19 = arith.constant 0 : i32
      %dma_start3A_20 = tpu.memref_slice %arg4[%mul3A_2, %dma_start3A_19] : memref<256x128xf32, #tpu.memory_space<hbm>> -> memref<8x128xf32, #tpu.memory_space<hbm>>
      tpu.enqueue_dma source(%arg6 : memref<8x128xf32, #tpu.memory_space<vmem>>) target(%dma_start3A_20 : memref<8x128xf32, #tpu.memory_space<hbm>>) target_semaphore(%run_scoped3A : memref<!tpu.dma_semaphore, #tpu.memory_space<semaphore_mem>>)
      %dma_wait3A_21 = arith.constant 0 : i32
      %dma_wait3A_22 = tpu.memref_slice %arg4[%mul3A_2, %dma_wait3A_21] : memref<256x128xf32, #tpu.memory_space<hbm>> -> memref<8x128xf32, #tpu.memory_space<hbm>>
      %dma_wait3A_23 = arith.constant 0 : i32
      %dma_wait3A_24 = tpu.memref_slice %arg4[%mul3A_2, %dma_wait3A_23] : memref<256x128xf32, #tpu.memory_space<hbm>> -> memref<8x128xf32, #tpu.memory_space<hbm>>
      tpu.wait_dma2 semaphore(%run_scoped3A : memref<!tpu.dma_semaphore, #tpu.memory_space<semaphore_mem>>) src(%arg6 : memref<8x128xf32, #tpu.memory_space<vmem>>) dst(%dma_wait3A_24 : memref<8x128xf32, #tpu.memory_space<hbm>>)
      tpu.yield
    }) : () -> ()
    return
  }
}

#map = affine_map<(d0, d1) -> (0, 0)>
#map1 = affine_map<(d0, d1) -> (0)>
module attributes {stable_mosaic.version = 14 : i64} {
  func.func @k(%arg0: i32, %arg1: i32, %arg2: memref<4096x128xf32, #tpu.memory_space<hbm>>, %arg3: memref<512xi32, #tpu.memory_space<hbm>>, %arg4: memref<512x128xf32, #tpu.memory_space<hbm>>, %arg5: memref<16xi32, #tpu.memory_space<vmem>>, %arg6: memref<16x128xf32, #tpu.memory_space<vmem>>, %arg7: memref<!tpu.dma_semaphore, #tpu.memory_space<semaphore_mem>>) attributes {dimension_semantics = [#tpu.dimension_semantics<core_parallel>, #tpu.dimension_semantics<subcore_parallel>], iteration_bounds = array<i64: 2, 16>, scalar_prefetch = 0 : i64, scratch_operands = 3 : i64, tpu.core_type = #tpu.core_type<sc_vector_subcore>, window_params = [{transform_indices = #map}, {transform_indices = #map1}, {transform_indices = #map}]} {
    %mul3A = arith.constant 2 : i32
    %mul3A_0 = arith.muli %arg1, %mul3A : i32
    %add3A = arith.addi %mul3A_0, %arg0 : i32
    %mul3A_1 = arith.constant 16 : i32
    %mul3A_2 = arith.muli %add3A, %mul3A_1 : i32
    "tpu.region"() ({
      %run_scoped3A = tpu.sem_alloc : memref<!tpu.dma_semaphore, #tpu.memory_space<semaphore_mem>>
      %dma_start3A_17 = tpu.memref_slice %arg3[%mul3A_2] : memref<512xi32, #tpu.memory_space<hbm>> -> memref<16xi32, #tpu.memory_space<hbm>>
      %dma_start3A_18 = tpu.memref_slice %arg3[%mul3A_2] : memref<512xi32, #tpu.memory_space<hbm>> -> memref<16xi32, #tpu.memory_space<hbm>>
      tpu.enqueue_dma source(%dma_start3A_18 : memref<16xi32, #tpu.memory_space<hbm>>) target(%arg5 : memref<16xi32, #tpu.memory_space<vmem>>) target_semaphore(%run_scoped3A : memref<!tpu.dma_semaphore, #tpu.memory_space<semaphore_mem>>)
      %dma_wait3A_19 = tpu.memref_slice %arg3[%mul3A_2] : memref<512xi32, #tpu.memory_space<hbm>> -> memref<16xi32, #tpu.memory_space<hbm>>
      %dma_wait3A_20 = tpu.memref_slice %arg3[%mul3A_2] : memref<512xi32, #tpu.memory_space<hbm>> -> memref<16xi32, #tpu.memory_space<hbm>>
      tpu.wait_dma2 semaphore(%run_scoped3A : memref<!tpu.dma_semaphore, #tpu.memory_space<semaphore_mem>>) src(%dma_wait3A_20 : memref<16xi32, #tpu.memory_space<hbm>>) dst(%arg5 : memref<16xi32, #tpu.memory_space<vmem>>)
      tpu.yield
    }) : () -> ()
    %dma_start3A = arith.constant 0 : i32
    %dma_start3A_3 = arith.constant 0 : i32
    %dma_start3A_4 = tpu.memref_slice %arg6[%dma_start3A, %dma_start3A_3] : memref<16x128xf32, #tpu.memory_space<vmem>> -> memref<16x128xf32, #tpu.memory_space<vmem>>
    %dma_start3A_5 = arith.constant 0 : i32
    %dma_start3A_6 = tpu.memref_slice %arg5[%dma_start3A_5] : memref<16xi32, #tpu.memory_space<vmem>> -> memref<16xi32, #tpu.memory_space<vmem>>
    %dma_start3A_7 = arith.constant 0 : i32
    %dma_start3A_8 = arith.constant 0 : i32
    %dma_start3A_9 = tpu.memref_slice %arg2[%dma_start3A_7, %dma_start3A_8] : memref<4096x128xf32, #tpu.memory_space<hbm>> -> memref<4096x128xf32, #tpu.memory_space<hbm>>
    tpu.enqueue_indirect_dma source(%dma_start3A_9 : memref<4096x128xf32, #tpu.memory_space<hbm>>) target(%dma_start3A_4 : memref<16x128xf32, #tpu.memory_space<vmem>>) offsets(%dma_start3A_6 : memref<16xi32, #tpu.memory_space<vmem>>) semaphore(%arg7 : memref<!tpu.dma_semaphore, #tpu.memory_space<semaphore_mem>>)
    %dma_wait3A = arith.constant 0 : i32
    %dma_wait3A_10 = arith.constant 0 : i32
    %dma_wait3A_11 = tpu.memref_slice %arg6[%dma_wait3A, %dma_wait3A_10] : memref<16x128xf32, #tpu.memory_space<vmem>> -> memref<16x128xf32, #tpu.memory_space<vmem>>
    %dma_wait3A_12 = arith.constant 0 : i32
    %dma_wait3A_13 = tpu.memref_slice %arg5[%dma_wait3A_12] : memref<16xi32, #tpu.memory_space<vmem>> -> memref<16xi32, #tpu.memory_space<vmem>>
    %dma_wait3A_14 = arith.constant 0 : i32
    %dma_wait3A_15 = arith.constant 0 : i32
    %dma_wait3A_16 = tpu.memref_slice %arg2[%dma_wait3A_14, %dma_wait3A_15] : memref<4096x128xf32, #tpu.memory_space<hbm>> -> memref<4096x128xf32, #tpu.memory_space<hbm>>
    tpu.wait_indirect_dma semaphore(%arg7 : memref<!tpu.dma_semaphore, #tpu.memory_space<semaphore_mem>>) src(%dma_wait3A_16 : memref<4096x128xf32, #tpu.memory_space<hbm>>) dst(%dma_wait3A_11 : memref<16x128xf32, #tpu.memory_space<vmem>>)
    "tpu.region"() ({
      %run_scoped3A = tpu.sem_alloc : memref<!tpu.dma_semaphore, #tpu.memory_space<semaphore_mem>>
      %dma_start3A_17 = arith.constant 0 : i32
      %dma_start3A_18 = tpu.memref_slice %arg4[%mul3A_2, %dma_start3A_17] : memref<512x128xf32, #tpu.memory_space<hbm>> -> memref<16x128xf32, #tpu.memory_space<hbm>>
      %dma_start3A_19 = arith.constant 0 : i32
      %dma_start3A_20 = tpu.memref_slice %arg4[%mul3A_2, %dma_start3A_19] : memref<512x128xf32, #tpu.memory_space<hbm>> -> memref<16x128xf32, #tpu.memory_space<hbm>>
      tpu.enqueue_dma source(%arg6 : memref<16x128xf32, #tpu.memory_space<vmem>>) target(%dma_start3A_20 : memref<16x128xf32, #tpu.memory_space<hbm>>) target_semaphore(%run_scoped3A : memref<!tpu.dma_semaphore, #tpu.memory_space<semaphore_mem>>)
      %dma_wait3A_21 = arith.constant 0 : i32
      %dma_wait3A_22 = tpu.memref_slice %arg4[%mul3A_2, %dma_wait3A_21] : memref<512x128xf32, #tpu.memory_space<hbm>> -> memref<16x128xf32, #tpu.memory_space<hbm>>
      %dma_wait3A_23 = arith.constant 0 : i32
      %dma_wait3A_24 = tpu.memref_slice %arg4[%mul3A_2, %dma_wait3A_23] : memref<512x128xf32, #tpu.memory_space<hbm>> -> memref<16x128xf32, #tpu.memory_space<hbm>>
      tpu.wait_dma2 semaphore(%run_scoped3A : memref<!tpu.dma_semaphore, #tpu.memory_space<semaphore_mem>>) src(%arg6 : memref<16x128xf32, #tpu.memory_space<vmem>>) dst(%dma_wait3A_24 : memref<16x128xf32, #tpu.memory_space<hbm>>)
      tpu.yield
    }) : () -> ()
    return
  }
}

#map = affine_map<(d0, d1) -> (0, 0)>
#map1 = affine_map<(d0, d1) -> (0)>
module attributes {stable_mosaic.version = 14 : i64} {
  func.func @k(%arg0: i32, %arg1: i32, %arg2: memref<4096x128xf32, #tpu.memory_space<hbm>>, %arg3: memref<256xi32, #tpu.memory_space<hbm>>, %arg4: memref<256x128xf32, #tpu.memory_space<hbm>>, %arg5: memref<8xi32, #tpu.memory_space<vmem>>, %arg6: memref<8x128xf32, #tpu.memory_space<vmem>>, %arg7: memref<!tpu.dma_semaphore, #tpu.memory_space<semaphore_mem>>) attributes {dimension_semantics = [#tpu.dimension_semantics<core_parallel>, #tpu.dimension_semantics<subcore_parallel>], iteration_bounds = array<i64: 2, 16>, scalar_prefetch = 0 : i64, scratch_operands = 3 : i64, tpu.core_type = #tpu.core_type<sc_vector_subcore>, window_params = [{transform_indices = #map}, {transform_indices = #map1}, {transform_indices = #map}]} {
    %mul3A = arith.constant 2 : i32
    %mul3A_0 = arith.muli %arg1, %mul3A : i32
    %add3A = arith.addi %mul3A_0, %arg0 : i32
    %mul3A_1 = arith.constant 8 : i32
    %mul3A_2 = arith.muli %add3A, %mul3A_1 : i32
    "tpu.region"() ({
      %run_scoped3A = tpu.sem_alloc : memref<!tpu.dma_semaphore, #tpu.memory_space<semaphore_mem>>
      %dma_start3A_17 = tpu.memref_slice %arg3[%mul3A_2] : memref<256xi32, #tpu.memory_space<hbm>> -> memref<8xi32, #tpu.memory_space<hbm>>
      %dma_start3A_18 = tpu.memref_slice %arg3[%mul3A_2] : memref<256xi32, #tpu.memory_space<hbm>> -> memref<8xi32, #tpu.memory_space<hbm>>
      tpu.enqueue_dma source(%dma_start3A_18 : memref<8xi32, #tpu.memory_space<hbm>>) target(%arg5 : memref<8xi32, #tpu.memory_space<vmem>>) target_semaphore(%run_scoped3A : memref<!tpu.dma_semaphore, #tpu.memory_space<semaphore_mem>>)
      %dma_wait3A_19 = tpu.memref_slice %arg3[%mul3A_2] : memref<256xi32, #tpu.memory_space<hbm>> -> memref<8xi32, #tpu.memory_space<hbm>>
      %dma_wait3A_20 = tpu.memref_slice %arg3[%mul3A_2] : memref<256xi32, #tpu.memory_space<hbm>> -> memref<8xi32, #tpu.memory_space<hbm>>
      tpu.wait_dma2 semaphore(%run_scoped3A : memref<!tpu.dma_semaphore, #tpu.memory_space<semaphore_mem>>) src(%dma_wait3A_20 : memref<8xi32, #tpu.memory_space<hbm>>) dst(%arg5 : memref<8xi32, #tpu.memory_space<vmem>>)
      tpu.yield
    }) : () -> ()
    %dma_start3A = arith.constant 0 : i32
    %dma_start3A_3 = arith.constant 0 : i32
    %dma_start3A_4 = tpu.memref_slice %arg6[%dma_start3A, %dma_start3A_3] : memref<8x128xf32, #tpu.memory_space<vmem>> -> memref<8x128xf32, #tpu.memory_space<vmem>>
    %dma_start3A_5 = arith.constant 0 : i32
    %dma_start3A_6 = tpu.memref_slice %arg5[%dma_start3A_5] : memref<8xi32, #tpu.memory_space<vmem>> -> memref<8xi32, #tpu.memory_space<vmem>>
    %dma_start3A_7 = arith.constant 0 : i32
    %dma_start3A_8 = arith.constant 0 : i32
    %dma_start3A_9 = tpu.memref_slice %arg2[%dma_start3A_7, %dma_start3A_8] : memref<4096x128xf32, #tpu.memory_space<hbm>> -> memref<4096x128xf32, #tpu.memory_space<hbm>>
    tpu.enqueue_indirect_dma source(%dma_start3A_9 : memref<4096x128xf32, #tpu.memory_space<hbm>>) target(%dma_start3A_4 : memref<8x128xf32, #tpu.memory_space<vmem>>) offsets(%dma_start3A_6 : memref<8xi32, #tpu.memory_space<vmem>>) semaphore(%arg7 : memref<!tpu.dma_semaphore, #tpu.memory_space<semaphore_mem>>)
    %dma_wait3A = arith.constant 0 : i32
    %dma_wait3A_10 = arith.constant 0 : i32
    %dma_wait3A_11 = tpu.memref_slice %arg6[%dma_wait3A, %dma_wait3A_10] : memref<8x128xf32, #tpu.memory_space<vmem>> -> memref<8x128xf32, #tpu.memory_space<vmem>>
    %dma_wait3A_12 = arith.constant 0 : i32
    %dma_wait3A_13 = tpu.memref_slice %arg5[%dma_wait3A_12] : memref<8xi32, #tpu.memory_space<vmem>> -> memref<8xi32, #tpu.memory_space<vmem>>
    %dma_wait3A_14 = arith.constant 0 : i32
    %dma_wait3A_15 = arith.constant 0 : i32
    %dma_wait3A_16 = tpu.memref_slice %arg2[%dma_wait3A_14, %dma_wait3A_15] : memref<4096x128xf32, #tpu.memory_space<hbm>> -> memref<4096x128xf32, #tpu.memory_space<hbm>>
    tpu.wait_indirect_dma semaphore(%arg7 : memref<!tpu.dma_semaphore, #tpu.memory_space<semaphore_mem>>) src(%dma_wait3A_16 : memref<4096x128xf32, #tpu.memory_space<hbm>>) dst(%dma_wait3A_11 : memref<8x128xf32, #tpu.memory_space<vmem>>)
    "tpu.region"() ({
      %run_scoped3A = tpu.sem_alloc : memref<!tpu.dma_semaphore, #tpu.memory_space<semaphore_mem>>
      %dma_start3A_17 = arith.constant 0 : i32
      %dma_start3A_18 = tpu.memref_slice %arg4[%mul3A_2, %dma_start3A_17] : memref<256x128xf32, #tpu.memory_space<hbm>> -> memref<8x128xf32, #tpu.memory_space<hbm>>
      %dma_start3A_19 = arith.constant 0 : i32
      %dma_start3A_20 = tpu.memref_slice %arg4[%mul3A_2, %dma_start3A_19] : memref<256x128xf32, #tpu.memory_space<hbm>> -> memref<8x128xf32, #tpu.memory_space<hbm>>
      tpu.enqueue_dma source(%arg6 : memref<8x128xf32, #tpu.memory_space<vmem>>) target(%dma_start3A_20 : memref<8x128xf32, #tpu.memory_space<hbm>>) target_semaphore(%run_scoped3A : memref<!tpu.dma_semaphore, #tpu.memory_space<semaphore_mem>>)
      %dma_wait3A_21 = arith.constant 0 : i32
      %dma_wait3A_22 = tpu.memref_slice %arg4[%mul3A_2, %dma_wait3A_21] : memref<256x128xf32, #tpu.memory_space<hbm>> -> memref<8x128xf32, #tpu.memory_space<hbm>>
      %dma_wait3A_23 = arith.constant 0 : i32
      %dma_wait3A_24 = tpu.memref_slice %arg4[%mul3A_2, %dma_wait3A_23] : memref<256x128xf32, #tpu.memory_space<hbm>> -> memref<8x128xf32, #tpu.memory_space<hbm>>
      tpu.wait_dma2 semaphore(%run_scoped3A : memref<!tpu.dma_semaphore, #tpu.memory_space<semaphore_mem>>) src(%arg6 : memref<8x128xf32, #tpu.memory_space<vmem>>) dst(%dma_wait3A_24 : memref<8x128xf32, #tpu.memory_space<hbm>>)
      tpu.yield
    }) : () -> ()
    return
  }
}

#map = affine_map<(d0, d1) -> (0, 0)>
#map1 = affine_map<(d0, d1) -> (0)>
module attributes {stable_mosaic.version = 14 : i64} {
  func.func @k(%arg0: i32, %arg1: i32, %arg2: memref<4096x128xf32, #tpu.memory_space<hbm>>, %arg3: memref<4608xi32, #tpu.memory_space<hbm>>, %arg4: memref<4608x128xf32, #tpu.memory_space<hbm>>, %arg5: memref<144xi32, #tpu.memory_space<vmem>>, %arg6: memref<144x128xf32, #tpu.memory_space<vmem>>, %arg7: memref<!tpu.dma_semaphore, #tpu.memory_space<semaphore_mem>>) attributes {dimension_semantics = [#tpu.dimension_semantics<core_parallel>, #tpu.dimension_semantics<subcore_parallel>], iteration_bounds = array<i64: 2, 16>, scalar_prefetch = 0 : i64, scratch_operands = 3 : i64, tpu.core_type = #tpu.core_type<sc_vector_subcore>, window_params = [{transform_indices = #map}, {transform_indices = #map1}, {transform_indices = #map}]} {
    %mul3A = arith.constant 2 : i32
    %mul3A_0 = arith.muli %arg1, %mul3A : i32
    %add3A = arith.addi %mul3A_0, %arg0 : i32
    %mul3A_1 = arith.constant 144 : i32
    %mul3A_2 = arith.muli %add3A, %mul3A_1 : i32
    "tpu.region"() ({
      %run_scoped3A = tpu.sem_alloc : memref<!tpu.dma_semaphore, #tpu.memory_space<semaphore_mem>>
      %dma_start3A_33 = tpu.memref_slice %arg3[%mul3A_2] : memref<4608xi32, #tpu.memory_space<hbm>> -> memref<144xi32, #tpu.memory_space<hbm>>
      %dma_start3A_34 = tpu.memref_slice %arg3[%mul3A_2] : memref<4608xi32, #tpu.memory_space<hbm>> -> memref<144xi32, #tpu.memory_space<hbm>>
      tpu.enqueue_dma source(%dma_start3A_34 : memref<144xi32, #tpu.memory_space<hbm>>) target(%arg5 : memref<144xi32, #tpu.memory_space<vmem>>) target_semaphore(%run_scoped3A : memref<!tpu.dma_semaphore, #tpu.memory_space<semaphore_mem>>)
      %dma_wait3A_35 = tpu.memref_slice %arg3[%mul3A_2] : memref<4608xi32, #tpu.memory_space<hbm>> -> memref<144xi32, #tpu.memory_space<hbm>>
      %dma_wait3A_36 = tpu.memref_slice %arg3[%mul3A_2] : memref<4608xi32, #tpu.memory_space<hbm>> -> memref<144xi32, #tpu.memory_space<hbm>>
      tpu.wait_dma2 semaphore(%run_scoped3A : memref<!tpu.dma_semaphore, #tpu.memory_space<semaphore_mem>>) src(%dma_wait3A_36 : memref<144xi32, #tpu.memory_space<hbm>>) dst(%arg5 : memref<144xi32, #tpu.memory_space<vmem>>)
      tpu.yield
    }) : () -> ()
    %dma_start3A = arith.constant 0 : i32
    %dma_start3A_3 = arith.constant 0 : i32
    %dma_start3A_4 = tpu.memref_slice %arg6[%dma_start3A, %dma_start3A_3] : memref<144x128xf32, #tpu.memory_space<vmem>> -> memref<72x128xf32, #tpu.memory_space<vmem>>
    %dma_start3A_5 = arith.constant 0 : i32
    %dma_start3A_6 = tpu.memref_slice %arg5[%dma_start3A_5] : memref<144xi32, #tpu.memory_space<vmem>> -> memref<72xi32, #tpu.memory_space<vmem>>
    %dma_start3A_7 = arith.constant 0 : i32
    %dma_start3A_8 = arith.constant 0 : i32
    %dma_start3A_9 = tpu.memref_slice %arg2[%dma_start3A_7, %dma_start3A_8] : memref<4096x128xf32, #tpu.memory_space<hbm>> -> memref<4096x128xf32, #tpu.memory_space<hbm>>
    tpu.enqueue_indirect_dma source(%dma_start3A_9 : memref<4096x128xf32, #tpu.memory_space<hbm>>) target(%dma_start3A_4 : memref<72x128xf32, #tpu.memory_space<vmem>>) offsets(%dma_start3A_6 : memref<72xi32, #tpu.memory_space<vmem>>) semaphore(%arg7 : memref<!tpu.dma_semaphore, #tpu.memory_space<semaphore_mem>>)
    %dma_start3A_10 = arith.constant 72 : i32
    %dma_start3A_11 = arith.constant 0 : i32
    %dma_start3A_12 = tpu.memref_slice %arg6[%dma_start3A_10, %dma_start3A_11] : memref<144x128xf32, #tpu.memory_space<vmem>> -> memref<72x128xf32, #tpu.memory_space<vmem>>
    %dma_start3A_13 = arith.constant 72 : i32
    %dma_start3A_14 = tpu.memref_slice %arg5[%dma_start3A_13] : memref<144xi32, #tpu.memory_space<vmem>> -> memref<72xi32, #tpu.memory_space<vmem>>
    %dma_start3A_15 = arith.constant 0 : i32
    %dma_start3A_16 = arith.constant 0 : i32
    %dma_start3A_17 = tpu.memref_slice %arg2[%dma_start3A_15, %dma_start3A_16] : memref<4096x128xf32, #tpu.memory_space<hbm>> -> memref<4096x128xf32, #tpu.memory_space<hbm>>
    tpu.enqueue_indirect_dma source(%dma_start3A_17 : memref<4096x128xf32, #tpu.memory_space<hbm>>) target(%dma_start3A_12 : memref<72x128xf32, #tpu.memory_space<vmem>>) offsets(%dma_start3A_14 : memref<72xi32, #tpu.memory_space<vmem>>) semaphore(%arg7 : memref<!tpu.dma_semaphore, #tpu.memory_space<semaphore_mem>>)
    %dma_wait3A = arith.constant 0 : i32
    %dma_wait3A_18 = arith.constant 0 : i32
    %dma_wait3A_19 = tpu.memref_slice %arg6[%dma_wait3A, %dma_wait3A_18] : memref<144x128xf32, #tpu.memory_space<vmem>> -> memref<72x128xf32, #tpu.memory_space<vmem>>
    %dma_wait3A_20 = arith.constant 0 : i32
    %dma_wait3A_21 = tpu.memref_slice %arg5[%dma_wait3A_20] : memref<144xi32, #tpu.memory_space<vmem>> -> memref<72xi32, #tpu.memory_space<vmem>>
    %dma_wait3A_22 = arith.constant 0 : i32
    %dma_wait3A_23 = arith.constant 0 : i32
    %dma_wait3A_24 = tpu.memref_slice %arg2[%dma_wait3A_22, %dma_wait3A_23] : memref<4096x128xf32, #tpu.memory_space<hbm>> -> memref<4096x128xf32, #tpu.memory_space<hbm>>
    tpu.wait_indirect_dma semaphore(%arg7 : memref<!tpu.dma_semaphore, #tpu.memory_space<semaphore_mem>>) src(%dma_wait3A_24 : memref<4096x128xf32, #tpu.memory_space<hbm>>) dst(%dma_wait3A_19 : memref<72x128xf32, #tpu.memory_space<vmem>>)
    %dma_wait3A_25 = arith.constant 72 : i32
    %dma_wait3A_26 = arith.constant 0 : i32
    %dma_wait3A_27 = tpu.memref_slice %arg6[%dma_wait3A_25, %dma_wait3A_26] : memref<144x128xf32, #tpu.memory_space<vmem>> -> memref<72x128xf32, #tpu.memory_space<vmem>>
    %dma_wait3A_28 = arith.constant 72 : i32
    %dma_wait3A_29 = tpu.memref_slice %arg5[%dma_wait3A_28] : memref<144xi32, #tpu.memory_space<vmem>> -> memref<72xi32, #tpu.memory_space<vmem>>
    %dma_wait3A_30 = arith.constant 0 : i32
    %dma_wait3A_31 = arith.constant 0 : i32
    %dma_wait3A_32 = tpu.memref_slice %arg2[%dma_wait3A_30, %dma_wait3A_31] : memref<4096x128xf32, #tpu.memory_space<hbm>> -> memref<4096x128xf32, #tpu.memory_space<hbm>>
    tpu.wait_indirect_dma semaphore(%arg7 : memref<!tpu.dma_semaphore, #tpu.memory_space<semaphore_mem>>) src(%dma_wait3A_32 : memref<4096x128xf32, #tpu.memory_space<hbm>>) dst(%dma_wait3A_27 : memref<72x128xf32, #tpu.memory_space<vmem>>)
    "tpu.region"() ({
      %run_scoped3A = tpu.sem_alloc : memref<!tpu.dma_semaphore, #tpu.memory_space<semaphore_mem>>
      %dma_start3A_33 = arith.constant 0 : i32
      %dma_start3A_34 = tpu.memref_slice %arg4[%mul3A_2, %dma_start3A_33] : memref<4608x128xf32, #tpu.memory_space<hbm>> -> memref<144x128xf32, #tpu.memory_space<hbm>>
      %dma_start3A_35 = arith.constant 0 : i32
      %dma_start3A_36 = tpu.memref_slice %arg4[%mul3A_2, %dma_start3A_35] : memref<4608x128xf32, #tpu.memory_space<hbm>> -> memref<144x128xf32, #tpu.memory_space<hbm>>
      tpu.enqueue_dma source(%arg6 : memref<144x128xf32, #tpu.memory_space<vmem>>) target(%dma_start3A_36 : memref<144x128xf32, #tpu.memory_space<hbm>>) target_semaphore(%run_scoped3A : memref<!tpu.dma_semaphore, #tpu.memory_space<semaphore_mem>>)
      %dma_wait3A_37 = arith.constant 0 : i32
      %dma_wait3A_38 = tpu.memref_slice %arg4[%mul3A_2, %dma_wait3A_37] : memref<4608x128xf32, #tpu.memory_space<hbm>> -> memref<144x128xf32, #tpu.memory_space<hbm>>
      %dma_wait3A_39 = arith.constant 0 : i32
      %dma_wait3A_40 = tpu.memref_slice %arg4[%mul3A_2, %dma_wait3A_39] : memref<4608x128xf32, #tpu.memory_space<hbm>> -> memref<144x128xf32, #tpu.memory_space<hbm>>
      tpu.wait_dma2 semaphore(%run_scoped3A : memref<!tpu.dma_semaphore, #tpu.memory_space<semaphore_mem>>) src(%arg6 : memref<144x128xf32, #tpu.memory_space<vmem>>) dst(%dma_wait3A_40 : memref<144x128xf32, #tpu.memory_space<hbm>>)
      tpu.yield
    }) : () -> ()
    return
  }
}

#map = affine_map<(d0, d1) -> (0, 0)>
#map1 = affine_map<(d0, d1) -> (0)>
module attributes {stable_mosaic.version = 14 : i64} {
  func.func @k(%arg0: i32, %arg1: i32, %arg2: memref<4096x128xf32, #tpu.memory_space<hbm>>, %arg3: memref<18432xi32, #tpu.memory_space<hbm>>, %arg4: memref<18432x128xf32, #tpu.memory_space<hbm>>, %arg5: memref<576xi32, #tpu.memory_space<vmem>>, %arg6: memref<576x128xf32, #tpu.memory_space<vmem>>, %arg7: memref<!tpu.dma_semaphore, #tpu.memory_space<semaphore_mem>>) attributes {dimension_semantics = [#tpu.dimension_semantics<core_parallel>, #tpu.dimension_semantics<subcore_parallel>], iteration_bounds = array<i64: 2, 16>, scalar_prefetch = 0 : i64, scratch_operands = 3 : i64, tpu.core_type = #tpu.core_type<sc_vector_subcore>, window_params = [{transform_indices = #map}, {transform_indices = #map1}, {transform_indices = #map}]} {
    %mul3A = arith.constant 2 : i32
    %mul3A_0 = arith.muli %arg1, %mul3A : i32
    %add3A = arith.addi %mul3A_0, %arg0 : i32
    %mul3A_1 = arith.constant 576 : i32
    %mul3A_2 = arith.muli %add3A, %mul3A_1 : i32
    "tpu.region"() ({
      %run_scoped3A = tpu.sem_alloc : memref<!tpu.dma_semaphore, #tpu.memory_space<semaphore_mem>>
      %dma_start3A_97 = tpu.memref_slice %arg3[%mul3A_2] : memref<18432xi32, #tpu.memory_space<hbm>> -> memref<576xi32, #tpu.memory_space<hbm>>
      %dma_start3A_98 = tpu.memref_slice %arg3[%mul3A_2] : memref<18432xi32, #tpu.memory_space<hbm>> -> memref<576xi32, #tpu.memory_space<hbm>>
      tpu.enqueue_dma source(%dma_start3A_98 : memref<576xi32, #tpu.memory_space<hbm>>) target(%arg5 : memref<576xi32, #tpu.memory_space<vmem>>) target_semaphore(%run_scoped3A : memref<!tpu.dma_semaphore, #tpu.memory_space<semaphore_mem>>)
      %dma_wait3A_99 = tpu.memref_slice %arg3[%mul3A_2] : memref<18432xi32, #tpu.memory_space<hbm>> -> memref<576xi32, #tpu.memory_space<hbm>>
      %dma_wait3A_100 = tpu.memref_slice %arg3[%mul3A_2] : memref<18432xi32, #tpu.memory_space<hbm>> -> memref<576xi32, #tpu.memory_space<hbm>>
      tpu.wait_dma2 semaphore(%run_scoped3A : memref<!tpu.dma_semaphore, #tpu.memory_space<semaphore_mem>>) src(%dma_wait3A_100 : memref<576xi32, #tpu.memory_space<hbm>>) dst(%arg5 : memref<576xi32, #tpu.memory_space<vmem>>)
      tpu.yield
    }) : () -> ()
    %dma_start3A = arith.constant 0 : i32
    %dma_start3A_3 = arith.constant 0 : i32
    %dma_start3A_4 = tpu.memref_slice %arg6[%dma_start3A, %dma_start3A_3] : memref<576x128xf32, #tpu.memory_space<vmem>> -> memref<96x128xf32, #tpu.memory_space<vmem>>
    %dma_start3A_5 = arith.constant 0 : i32
    %dma_start3A_6 = tpu.memref_slice %arg5[%dma_start3A_5] : memref<576xi32, #tpu.memory_space<vmem>> -> memref<96xi32, #tpu.memory_space<vmem>>
    %dma_start3A_7 = arith.constant 0 : i32
    %dma_start3A_8 = arith.constant 0 : i32
    %dma_start3A_9 = tpu.memref_slice %arg2[%dma_start3A_7, %dma_start3A_8] : memref<4096x128xf32, #tpu.memory_space<hbm>> -> memref<4096x128xf32, #tpu.memory_space<hbm>>
    tpu.enqueue_indirect_dma source(%dma_start3A_9 : memref<4096x128xf32, #tpu.memory_space<hbm>>) target(%dma_start3A_4 : memref<96x128xf32, #tpu.memory_space<vmem>>) offsets(%dma_start3A_6 : memref<96xi32, #tpu.memory_space<vmem>>) semaphore(%arg7 : memref<!tpu.dma_semaphore, #tpu.memory_space<semaphore_mem>>)
    %dma_start3A_10 = arith.constant 96 : i32
    %dma_start3A_11 = arith.constant 0 : i32
    %dma_start3A_12 = tpu.memref_slice %arg6[%dma_start3A_10, %dma_start3A_11] : memref<576x128xf32, #tpu.memory_space<vmem>> -> memref<96x128xf32, #tpu.memory_space<vmem>>
    %dma_start3A_13 = arith.constant 96 : i32
    %dma_start3A_14 = tpu.memref_slice %arg5[%dma_start3A_13] : memref<576xi32, #tpu.memory_space<vmem>> -> memref<96xi32, #tpu.memory_space<vmem>>
    %dma_start3A_15 = arith.constant 0 : i32
    %dma_start3A_16 = arith.constant 0 : i32
    %dma_start3A_17 = tpu.memref_slice %arg2[%dma_start3A_15, %dma_start3A_16] : memref<4096x128xf32, #tpu.memory_space<hbm>> -> memref<4096x128xf32, #tpu.memory_space<hbm>>
    tpu.enqueue_indirect_dma source(%dma_start3A_17 : memref<4096x128xf32, #tpu.memory_space<hbm>>) target(%dma_start3A_12 : memref<96x128xf32, #tpu.memory_space<vmem>>) offsets(%dma_start3A_14 : memref<96xi32, #tpu.memory_space<vmem>>) semaphore(%arg7 : memref<!tpu.dma_semaphore, #tpu.memory_space<semaphore_mem>>)
    %dma_start3A_18 = arith.constant 192 : i32
    %dma_start3A_19 = arith.constant 0 : i32
    %dma_start3A_20 = tpu.memref_slice %arg6[%dma_start3A_18, %dma_start3A_19] : memref<576x128xf32, #tpu.memory_space<vmem>> -> memref<96x128xf32, #tpu.memory_space<vmem>>
    %dma_start3A_21 = arith.constant 192 : i32
    %dma_start3A_22 = tpu.memref_slice %arg5[%dma_start3A_21] : memref<576xi32, #tpu.memory_space<vmem>> -> memref<96xi32, #tpu.memory_space<vmem>>
    %dma_start3A_23 = arith.constant 0 : i32
    %dma_start3A_24 = arith.constant 0 : i32
    %dma_start3A_25 = tpu.memref_slice %arg2[%dma_start3A_23, %dma_start3A_24] : memref<4096x128xf32, #tpu.memory_space<hbm>> -> memref<4096x128xf32, #tpu.memory_space<hbm>>
    tpu.enqueue_indirect_dma source(%dma_start3A_25 : memref<4096x128xf32, #tpu.memory_space<hbm>>) target(%dma_start3A_20 : memref<96x128xf32, #tpu.memory_space<vmem>>) offsets(%dma_start3A_22 : memref<96xi32, #tpu.memory_space<vmem>>) semaphore(%arg7 : memref<!tpu.dma_semaphore, #tpu.memory_space<semaphore_mem>>)
    %dma_start3A_26 = arith.constant 288 : i32
    %dma_start3A_27 = arith.constant 0 : i32
    %dma_start3A_28 = tpu.memref_slice %arg6[%dma_start3A_26, %dma_start3A_27] : memref<576x128xf32, #tpu.memory_space<vmem>> -> memref<96x128xf32, #tpu.memory_space<vmem>>
    %dma_start3A_29 = arith.constant 288 : i32
    %dma_start3A_30 = tpu.memref_slice %arg5[%dma_start3A_29] : memref<576xi32, #tpu.memory_space<vmem>> -> memref<96xi32, #tpu.memory_space<vmem>>
    %dma_start3A_31 = arith.constant 0 : i32
    %dma_start3A_32 = arith.constant 0 : i32
    %dma_start3A_33 = tpu.memref_slice %arg2[%dma_start3A_31, %dma_start3A_32] : memref<4096x128xf32, #tpu.memory_space<hbm>> -> memref<4096x128xf32, #tpu.memory_space<hbm>>
    tpu.enqueue_indirect_dma source(%dma_start3A_33 : memref<4096x128xf32, #tpu.memory_space<hbm>>) target(%dma_start3A_28 : memref<96x128xf32, #tpu.memory_space<vmem>>) offsets(%dma_start3A_30 : memref<96xi32, #tpu.memory_space<vmem>>) semaphore(%arg7 : memref<!tpu.dma_semaphore, #tpu.memory_space<semaphore_mem>>)
    %dma_start3A_34 = arith.constant 384 : i32
    %dma_start3A_35 = arith.constant 0 : i32
    %dma_start3A_36 = tpu.memref_slice %arg6[%dma_start3A_34, %dma_start3A_35] : memref<576x128xf32, #tpu.memory_space<vmem>> -> memref<96x128xf32, #tpu.memory_space<vmem>>
    %dma_start3A_37 = arith.constant 384 : i32
    %dma_start3A_38 = tpu.memref_slice %arg5[%dma_start3A_37] : memref<576xi32, #tpu.memory_space<vmem>> -> memref<96xi32, #tpu.memory_space<vmem>>
    %dma_start3A_39 = arith.constant 0 : i32
    %dma_start3A_40 = arith.constant 0 : i32
    %dma_start3A_41 = tpu.memref_slice %arg2[%dma_start3A_39, %dma_start3A_40] : memref<4096x128xf32, #tpu.memory_space<hbm>> -> memref<4096x128xf32, #tpu.memory_space<hbm>>
    tpu.enqueue_indirect_dma source(%dma_start3A_41 : memref<4096x128xf32, #tpu.memory_space<hbm>>) target(%dma_start3A_36 : memref<96x128xf32, #tpu.memory_space<vmem>>) offsets(%dma_start3A_38 : memref<96xi32, #tpu.memory_space<vmem>>) semaphore(%arg7 : memref<!tpu.dma_semaphore, #tpu.memory_space<semaphore_mem>>)
    %dma_start3A_42 = arith.constant 480 : i32
    %dma_start3A_43 = arith.constant 0 : i32
    %dma_start3A_44 = tpu.memref_slice %arg6[%dma_start3A_42, %dma_start3A_43] : memref<576x128xf32, #tpu.memory_space<vmem>> -> memref<96x128xf32, #tpu.memory_space<vmem>>
    %dma_start3A_45 = arith.constant 480 : i32
    %dma_start3A_46 = tpu.memref_slice %arg5[%dma_start3A_45] : memref<576xi32, #tpu.memory_space<vmem>> -> memref<96xi32, #tpu.memory_space<vmem>>
    %dma_start3A_47 = arith.constant 0 : i32
    %dma_start3A_48 = arith.constant 0 : i32
    %dma_start3A_49 = tpu.memref_slice %arg2[%dma_start3A_47, %dma_start3A_48] : memref<4096x128xf32, #tpu.memory_space<hbm>> -> memref<4096x128xf32, #tpu.memory_space<hbm>>
    tpu.enqueue_indirect_dma source(%dma_start3A_49 : memref<4096x128xf32, #tpu.memory_space<hbm>>) target(%dma_start3A_44 : memref<96x128xf32, #tpu.memory_space<vmem>>) offsets(%dma_start3A_46 : memref<96xi32, #tpu.memory_space<vmem>>) semaphore(%arg7 : memref<!tpu.dma_semaphore, #tpu.memory_space<semaphore_mem>>)
    %dma_wait3A = arith.constant 0 : i32
    %dma_wait3A_50 = arith.constant 0 : i32
    %dma_wait3A_51 = tpu.memref_slice %arg6[%dma_wait3A, %dma_wait3A_50] : memref<576x128xf32, #tpu.memory_space<vmem>> -> memref<96x128xf32, #tpu.memory_space<vmem>>
    %dma_wait3A_52 = arith.constant 0 : i32
    %dma_wait3A_53 = tpu.memref_slice %arg5[%dma_wait3A_52] : memref<576xi32, #tpu.memory_space<vmem>> -> memref<96xi32, #tpu.memory_space<vmem>>
    %dma_wait3A_54 = arith.constant 0 : i32
    %dma_wait3A_55 = arith.constant 0 : i32
    %dma_wait3A_56 = tpu.memref_slice %arg2[%dma_wait3A_54, %dma_wait3A_55] : memref<4096x128xf32, #tpu.memory_space<hbm>> -> memref<4096x128xf32, #tpu.memory_space<hbm>>
    tpu.wait_indirect_dma semaphore(%arg7 : memref<!tpu.dma_semaphore, #tpu.memory_space<semaphore_mem>>) src(%dma_wait3A_56 : memref<4096x128xf32, #tpu.memory_space<hbm>>) dst(%dma_wait3A_51 : memref<96x128xf32, #tpu.memory_space<vmem>>)
    %dma_wait3A_57 = arith.constant 96 : i32
    %dma_wait3A_58 = arith.constant 0 : i32
    %dma_wait3A_59 = tpu.memref_slice %arg6[%dma_wait3A_57, %dma_wait3A_58] : memref<576x128xf32, #tpu.memory_space<vmem>> -> memref<96x128xf32, #tpu.memory_space<vmem>>
    %dma_wait3A_60 = arith.constant 96 : i32
    %dma_wait3A_61 = tpu.memref_slice %arg5[%dma_wait3A_60] : memref<576xi32, #tpu.memory_space<vmem>> -> memref<96xi32, #tpu.memory_space<vmem>>
    %dma_wait3A_62 = arith.constant 0 : i32
    %dma_wait3A_63 = arith.constant 0 : i32
    %dma_wait3A_64 = tpu.memref_slice %arg2[%dma_wait3A_62, %dma_wait3A_63] : memref<4096x128xf32, #tpu.memory_space<hbm>> -> memref<4096x128xf32, #tpu.memory_space<hbm>>
    tpu.wait_indirect_dma semaphore(%arg7 : memref<!tpu.dma_semaphore, #tpu.memory_space<semaphore_mem>>) src(%dma_wait3A_64 : memref<4096x128xf32, #tpu.memory_space<hbm>>) dst(%dma_wait3A_59 : memref<96x128xf32, #tpu.memory_space<vmem>>)
    %dma_wait3A_65 = arith.constant 192 : i32
    %dma_wait3A_66 = arith.constant 0 : i32
    %dma_wait3A_67 = tpu.memref_slice %arg6[%dma_wait3A_65, %dma_wait3A_66] : memref<576x128xf32, #tpu.memory_space<vmem>> -> memref<96x128xf32, #tpu.memory_space<vmem>>
    %dma_wait3A_68 = arith.constant 192 : i32
    %dma_wait3A_69 = tpu.memref_slice %arg5[%dma_wait3A_68] : memref<576xi32, #tpu.memory_space<vmem>> -> memref<96xi32, #tpu.memory_space<vmem>>
    %dma_wait3A_70 = arith.constant 0 : i32
    %dma_wait3A_71 = arith.constant 0 : i32
    %dma_wait3A_72 = tpu.memref_slice %arg2[%dma_wait3A_70, %dma_wait3A_71] : memref<4096x128xf32, #tpu.memory_space<hbm>> -> memref<4096x128xf32, #tpu.memory_space<hbm>>
    tpu.wait_indirect_dma semaphore(%arg7 : memref<!tpu.dma_semaphore, #tpu.memory_space<semaphore_mem>>) src(%dma_wait3A_72 : memref<4096x128xf32, #tpu.memory_space<hbm>>) dst(%dma_wait3A_67 : memref<96x128xf32, #tpu.memory_space<vmem>>)
    %dma_wait3A_73 = arith.constant 288 : i32
    %dma_wait3A_74 = arith.constant 0 : i32
    %dma_wait3A_75 = tpu.memref_slice %arg6[%dma_wait3A_73, %dma_wait3A_74] : memref<576x128xf32, #tpu.memory_space<vmem>> -> memref<96x128xf32, #tpu.memory_space<vmem>>
    %dma_wait3A_76 = arith.constant 288 : i32
    %dma_wait3A_77 = tpu.memref_slice %arg5[%dma_wait3A_76] : memref<576xi32, #tpu.memory_space<vmem>> -> memref<96xi32, #tpu.memory_space<vmem>>
    %dma_wait3A_78 = arith.constant 0 : i32
    %dma_wait3A_79 = arith.constant 0 : i32
    %dma_wait3A_80 = tpu.memref_slice %arg2[%dma_wait3A_78, %dma_wait3A_79] : memref<4096x128xf32, #tpu.memory_space<hbm>> -> memref<4096x128xf32, #tpu.memory_space<hbm>>
    tpu.wait_indirect_dma semaphore(%arg7 : memref<!tpu.dma_semaphore, #tpu.memory_space<semaphore_mem>>) src(%dma_wait3A_80 : memref<4096x128xf32, #tpu.memory_space<hbm>>) dst(%dma_wait3A_75 : memref<96x128xf32, #tpu.memory_space<vmem>>)
    %dma_wait3A_81 = arith.constant 384 : i32
    %dma_wait3A_82 = arith.constant 0 : i32
    %dma_wait3A_83 = tpu.memref_slice %arg6[%dma_wait3A_81, %dma_wait3A_82] : memref<576x128xf32, #tpu.memory_space<vmem>> -> memref<96x128xf32, #tpu.memory_space<vmem>>
    %dma_wait3A_84 = arith.constant 384 : i32
    %dma_wait3A_85 = tpu.memref_slice %arg5[%dma_wait3A_84] : memref<576xi32, #tpu.memory_space<vmem>> -> memref<96xi32, #tpu.memory_space<vmem>>
    %dma_wait3A_86 = arith.constant 0 : i32
    %dma_wait3A_87 = arith.constant 0 : i32
    %dma_wait3A_88 = tpu.memref_slice %arg2[%dma_wait3A_86, %dma_wait3A_87] : memref<4096x128xf32, #tpu.memory_space<hbm>> -> memref<4096x128xf32, #tpu.memory_space<hbm>>
    tpu.wait_indirect_dma semaphore(%arg7 : memref<!tpu.dma_semaphore, #tpu.memory_space<semaphore_mem>>) src(%dma_wait3A_88 : memref<4096x128xf32, #tpu.memory_space<hbm>>) dst(%dma_wait3A_83 : memref<96x128xf32, #tpu.memory_space<vmem>>)
    %dma_wait3A_89 = arith.constant 480 : i32
    %dma_wait3A_90 = arith.constant 0 : i32
    %dma_wait3A_91 = tpu.memref_slice %arg6[%dma_wait3A_89, %dma_wait3A_90] : memref<576x128xf32, #tpu.memory_space<vmem>> -> memref<96x128xf32, #tpu.memory_space<vmem>>
    %dma_wait3A_92 = arith.constant 480 : i32
    %dma_wait3A_93 = tpu.memref_slice %arg5[%dma_wait3A_92] : memref<576xi32, #tpu.memory_space<vmem>> -> memref<96xi32, #tpu.memory_space<vmem>>
    %dma_wait3A_94 = arith.constant 0 : i32
    %dma_wait3A_95 = arith.constant 0 : i32
    %dma_wait3A_96 = tpu.memref_slice %arg2[%dma_wait3A_94, %dma_wait3A_95] : memref<4096x128xf32, #tpu.memory_space<hbm>> -> memref<4096x128xf32, #tpu.memory_space<hbm>>
    tpu.wait_indirect_dma semaphore(%arg7 : memref<!tpu.dma_semaphore, #tpu.memory_space<semaphore_mem>>) src(%dma_wait3A_96 : memref<4096x128xf32, #tpu.memory_space<hbm>>) dst(%dma_wait3A_91 : memref<96x128xf32, #tpu.memory_space<vmem>>)
    "tpu.region"() ({
      %run_scoped3A = tpu.sem_alloc : memref<!tpu.dma_semaphore, #tpu.memory_space<semaphore_mem>>
      %dma_start3A_97 = arith.constant 0 : i32
      %dma_start3A_98 = tpu.memref_slice %arg4[%mul3A_2, %dma_start3A_97] : memref<18432x128xf32, #tpu.memory_space<hbm>> -> memref<576x128xf32, #tpu.memory_space<hbm>>
      %dma_start3A_99 = arith.constant 0 : i32
      %dma_start3A_100 = tpu.memref_slice %arg4[%mul3A_2, %dma_start3A_99] : memref<18432x128xf32, #tpu.memory_space<hbm>> -> memref<576x128xf32, #tpu.memory_space<hbm>>
      tpu.enqueue_dma source(%arg6 : memref<576x128xf32, #tpu.memory_space<vmem>>) target(%dma_start3A_100 : memref<576x128xf32, #tpu.memory_space<hbm>>) target_semaphore(%run_scoped3A : memref<!tpu.dma_semaphore, #tpu.memory_space<semaphore_mem>>)
      %dma_wait3A_101 = arith.constant 0 : i32
      %dma_wait3A_102 = tpu.memref_slice %arg4[%mul3A_2, %dma_wait3A_101] : memref<18432x128xf32, #tpu.memory_space<hbm>> -> memref<576x128xf32, #tpu.memory_space<hbm>>
      %dma_wait3A_103 = arith.constant 0 : i32
      %dma_wait3A_104 = tpu.memref_slice %arg4[%mul3A_2, %dma_wait3A_103] : memref<18432x128xf32, #tpu.memory_space<hbm>> -> memref<576x128xf32, #tpu.memory_space<hbm>>
      tpu.wait_dma2 semaphore(%run_scoped3A : memref<!tpu.dma_semaphore, #tpu.memory_space<semaphore_mem>>) src(%arg6 : memref<576x128xf32, #tpu.memory_space<vmem>>) dst(%dma_wait3A_104 : memref<576x128xf32, #tpu.memory_space<hbm>>)
      tpu.yield
    }) : () -> ()
    return
  }
}

module attributes {stable_mosaic.version = 14 : i64} {
  func.func @_dist_argmin_body(%arg0: i32, %arg1: memref<32x64xf32, #tpu.memory_space<vmem>>, %arg2: memref<32x1xf32, #tpu.memory_space<vmem>>, %arg3: memref<8192x64xf32, #tpu.memory_space<vmem>>, %arg4: memref<1x8192xf32, #tpu.memory_space<vmem>>, %arg5: memref<1x1x32xi32, #tpu.memory_space<vmem>>) attributes {dimension_semantics = [#tpu.dimension_semantics<arbitrary>], iteration_bounds = array<i64: 1>, scalar_prefetch = 0 : i64, scratch_operands = 0 : i64, tpu.core_type = #tpu.core_type<tc>, window_params = [{transform_indices = @transform_0, window_bounds = array<i64: 32, 64>}, {transform_indices = @transform_1, window_bounds = array<i64: 32, 1>}, {pipeline_mode = #tpu.pipeline_mode<synchronous>, transform_indices = @transform_2, window_bounds = array<i64: 8192, 64>}, {pipeline_mode = #tpu.pipeline_mode<synchronous>, transform_indices = @transform_3, window_bounds = array<i64: 1, 8192>}, {transform_indices = @transform_4, window_bounds = array<i64: 1, 1, 32>}]} {
    %get3A = arith.constant 0 : index
    %get3A_0 = arith.constant 0 : index
    %get3A_1 = vector.load %arg1[%get3A, %get3A_0] : memref<32x64xf32, #tpu.memory_space<vmem>>, vector<32x64xf32>
    %get3A_2 = arith.constant 0 : index
    %get3A_3 = arith.constant 0 : index
    %get3A_4 = vector.load %arg3[%get3A_2, %get3A_3] : memref<8192x64xf32, #tpu.memory_space<vmem>>, vector<8192x64xf32>
    %dot_general3A = arith.constant dense<0.000000e+00> : vector<32x8192xf32>
    %dot_general3A_5 = tpu.matmul %get3A_1, %get3A_4, %dot_general3A {dimension_numbers = #tpu.dot_dimension_numbers<[1], [1], [0], [0], [0, 0, 1, 0], [], []>, transpose_lhs_hint = false} : vector<32x64xf32>, vector<8192x64xf32>, vector<32x8192xf32> -> vector<32x8192xf32>
    %get3A_6 = arith.constant 0 : index
    %get3A_7 = arith.constant 0 : index
    %get3A_8 = vector.load %arg2[%get3A_6, %get3A_7] : memref<32x1xf32, #tpu.memory_space<vmem>>, vector<32x1xf32>
    %get3A_9 = arith.constant 0 : index
    %get3A_10 = arith.constant 0 : index
    %get3A_11 = vector.load %arg4[%get3A_9, %get3A_10] : memref<1x8192xf32, #tpu.memory_space<vmem>>, vector<1x8192xf32>
    %add3A = vector.broadcast %get3A_8 : vector<32x1xf32> to vector<32x8192xf32>
    %add3A_12 = vector.broadcast %get3A_11 : vector<1x8192xf32> to vector<32x8192xf32>
    %add3A_13 = arith.addf %add3A, %add3A_12 : vector<32x8192xf32>
    %mul3A = arith.constant 2.000000e+00 : f32
    %mul3A_14 = vector.broadcast %mul3A : f32 to vector<32x8192xf32>
    %mul3A_15 = arith.mulf %mul3A_14, %dot_general3A_5 : vector<32x8192xf32>
    %sub3A = arith.subf %add3A_13, %mul3A_15 : vector<32x8192xf32>
    %reduce_min3A = arith.constant dense<0x7F800000> : vector<32xf32>
    %reduce_min3A_16 = vector.multi_reduction <minimumf>, %sub3A, %reduce_min3A [1] : vector<32x8192xf32> to vector<32xf32>
    %broadcast_in_dim3A = vector.shape_cast %reduce_min3A_16 : vector<32xf32> to vector<32x1xf32>
    %eq3A = vector.broadcast %broadcast_in_dim3A : vector<32x1xf32> to vector<32x8192xf32>
    %eq3A_17 = arith.cmpf oeq, %sub3A, %eq3A : vector<32x8192xf32>
    %iota3A = tpu.iota {dimensions = array<i32: 1>} : vector<32x8192xi32>
    %jit3A = arith.constant 8192 : i32
    %broadcast_in_dim3A_18 = vector.broadcast %jit3A : i32 to vector<32x8192xi32>
    %select_n3A = arith.select %eq3A_17, %iota3A, %broadcast_in_dim3A_18 : vector<32x8192xi1>, vector<32x8192xi32>
    %reduce_min3A_19 = arith.constant dense<2147483647> : vector<32xi32>
    %reduce_min3A_20 = vector.multi_reduction <minsi>, %select_n3A, %reduce_min3A_19 [1] : vector<32x8192xi32> to vector<32xi32>
    %swap3A = arith.constant 0 : index
    %swap3A_21 = arith.constant 0 : index
    %swap3A_22 = arith.constant 0 : index
    %swap3A_23 = vector.load %arg5[%swap3A, %swap3A_21, %swap3A_22] : memref<1x1x32xi32, #tpu.memory_space<vmem>>, vector<1x1x32xi32>
    %swap3A_24 = vector.shape_cast %swap3A_23 : vector<1x1x32xi32> to vector<32xi32>
    %swap3A_25 = vector.shape_cast %reduce_min3A_20 : vector<32xi32> to vector<1x1x32xi32>
    tpu.vector_store %arg5[%swap3A, %swap3A_21, %swap3A_22], %swap3A_25 {strides = array<i32>} : memref<1x1x32xi32, #tpu.memory_space<vmem>>, vector<1x1x32xi32>,
    return
  }
  func.func @transform_0(%arg0: i32) -> (i32, i32) {
    %c0_i32 = arith.constant 0 : i32
    %c0_i32_0 = arith.constant 0 : i32
    return %arg0, %c0_i32 : i32, i32
  }
  func.func @transform_1(%arg0: i32) -> (i32, i32) {
    %c0_i32 = arith.constant 0 : i32
    %c0_i32_0 = arith.constant 0 : i32
    return %arg0, %c0_i32 : i32, i32
  }
  func.func @transform_2(%arg0: i32) -> (i32, i32) {
    %c0_i32 = arith.constant 0 : i32
    %c0_i32_0 = arith.constant 0 : i32
    %c0_i32_1 = arith.constant 0 : i32
    return %c0_i32, %c0_i32_0 : i32, i32
  }
  func.func @transform_3(%arg0: i32) -> (i32, i32) {
    %c0_i32 = arith.constant 0 : i32
    %c0_i32_0 = arith.constant 0 : i32
    %c0_i32_1 = arith.constant 0 : i32
    return %c0_i32, %c0_i32_0 : i32, i32
  }
  func.func @transform_4(%arg0: i32) -> (i32, i32, i32) {
    %c0_i32 = arith.constant 0 : i32
    %c0_i32_0 = arith.constant 0 : i32
    %c0_i32_1 = arith.constant 0 : i32
    return %arg0, %c0_i32, %c0_i32_0 : i32, i32, i32
  }
}

module attributes {stable_mosaic.version = 14 : i64} {
  func.func @_dist_argmin_body(%arg0: i32, %arg1: memref<128x64xf32, #tpu.memory_space<vmem>>, %arg2: memref<128x1xf32, #tpu.memory_space<vmem>>, %arg3: memref<8192x64xf32, #tpu.memory_space<vmem>>, %arg4: memref<1x8192xf32, #tpu.memory_space<vmem>>, %arg5: memref<1x1x128xi32, #tpu.memory_space<vmem>>) attributes {dimension_semantics = [#tpu.dimension_semantics<arbitrary>], iteration_bounds = array<i64: 1>, scalar_prefetch = 0 : i64, scratch_operands = 0 : i64, tpu.core_type = #tpu.core_type<tc>, window_params = [{transform_indices = @transform_0, window_bounds = array<i64: 128, 64>}, {transform_indices = @transform_1, window_bounds = array<i64: 128, 1>}, {pipeline_mode = #tpu.pipeline_mode<synchronous>, transform_indices = @transform_2, window_bounds = array<i64: 8192, 64>}, {pipeline_mode = #tpu.pipeline_mode<synchronous>, transform_indices = @transform_3, window_bounds = array<i64: 1, 8192>}, {transform_indices = @transform_4, window_bounds = array<i64: 1, 1, 128>}]} {
    %get3A = arith.constant 0 : index
    %get3A_0 = arith.constant 0 : index
    %get3A_1 = vector.load %arg1[%get3A, %get3A_0] : memref<128x64xf32, #tpu.memory_space<vmem>>, vector<128x64xf32>
    %get3A_2 = arith.constant 0 : index
    %get3A_3 = arith.constant 0 : index
    %get3A_4 = vector.load %arg3[%get3A_2, %get3A_3] : memref<8192x64xf32, #tpu.memory_space<vmem>>, vector<8192x64xf32>
    %dot_general3A = arith.constant dense<0.000000e+00> : vector<128x8192xf32>
    %dot_general3A_5 = tpu.matmul %get3A_1, %get3A_4, %dot_general3A {dimension_numbers = #tpu.dot_dimension_numbers<[1], [1], [0], [0], [0, 0, 1, 0], [], []>, transpose_lhs_hint = false} : vector<128x64xf32>, vector<8192x64xf32>, vector<128x8192xf32> -> vector<128x8192xf32>
    %get3A_6 = arith.constant 0 : index
    %get3A_7 = arith.constant 0 : index
    %get3A_8 = vector.load %arg2[%get3A_6, %get3A_7] : memref<128x1xf32, #tpu.memory_space<vmem>>, vector<128x1xf32>
    %get3A_9 = arith.constant 0 : index
    %get3A_10 = arith.constant 0 : index
    %get3A_11 = vector.load %arg4[%get3A_9, %get3A_10] : memref<1x8192xf32, #tpu.memory_space<vmem>>, vector<1x8192xf32>
    %add3A = vector.broadcast %get3A_8 : vector<128x1xf32> to vector<128x8192xf32>
    %add3A_12 = vector.broadcast %get3A_11 : vector<1x8192xf32> to vector<128x8192xf32>
    %add3A_13 = arith.addf %add3A, %add3A_12 : vector<128x8192xf32>
    %mul3A = arith.constant 2.000000e+00 : f32
    %mul3A_14 = vector.broadcast %mul3A : f32 to vector<128x8192xf32>
    %mul3A_15 = arith.mulf %mul3A_14, %dot_general3A_5 : vector<128x8192xf32>
    %sub3A = arith.subf %add3A_13, %mul3A_15 : vector<128x8192xf32>
    %reduce_min3A = arith.constant dense<0x7F800000> : vector<128xf32>
    %reduce_min3A_16 = vector.multi_reduction <minimumf>, %sub3A, %reduce_min3A [1] : vector<128x8192xf32> to vector<128xf32>
    %broadcast_in_dim3A = vector.shape_cast %reduce_min3A_16 : vector<128xf32> to vector<128x1xf32>
    %eq3A = vector.broadcast %broadcast_in_dim3A : vector<128x1xf32> to vector<128x8192xf32>
    %eq3A_17 = arith.cmpf oeq, %sub3A, %eq3A : vector<128x8192xf32>
    %iota3A = tpu.iota {dimensions = array<i32: 1>} : vector<128x8192xi32>
    %jit3A = arith.constant 8192 : i32
    %broadcast_in_dim3A_18 = vector.broadcast %jit3A : i32 to vector<128x8192xi32>
    %select_n3A = arith.select %eq3A_17, %iota3A, %broadcast_in_dim3A_18 : vector<128x8192xi1>, vector<128x8192xi32>
    %reduce_min3A_19 = arith.constant dense<2147483647> : vector<128xi32>
    %reduce_min3A_20 = vector.multi_reduction <minsi>, %select_n3A, %reduce_min3A_19 [1] : vector<128x8192xi32> to vector<128xi32>
    %swap3A = arith.constant 0 : index
    %swap3A_21 = arith.constant 0 : index
    %swap3A_22 = arith.constant 0 : index
    %swap3A_23 = vector.load %arg5[%swap3A, %swap3A_21, %swap3A_22] : memref<1x1x128xi32, #tpu.memory_space<vmem>>, vector<1x1x128xi32>
    %swap3A_24 = vector.shape_cast %swap3A_23 : vector<1x1x128xi32> to vector<128xi32>
    %swap3A_25 = vector.shape_cast %reduce_min3A_20 : vector<128xi32> to vector<1x1x128xi32>
    tpu.vector_store %arg5[%swap3A, %swap3A_21, %swap3A_22], %swap3A_25 {strides = array<i32>} : memref<1x1x128xi32, #tpu.memory_space<vmem>>, vector<1x1x128xi32>,
    return
  }
  func.func @transform_0(%arg0: i32) -> (i32, i32) {
    %c0_i32 = arith.constant 0 : i32
    %c0_i32_0 = arith.constant 0 : i32
    return %arg0, %c0_i32 : i32, i32
  }
  func.func @transform_1(%arg0: i32) -> (i32, i32) {
    %c0_i32 = arith.constant 0 : i32
    %c0_i32_0 = arith.constant 0 : i32
    return %arg0, %c0_i32 : i32, i32
  }
  func.func @transform_2(%arg0: i32) -> (i32, i32) {
    %c0_i32 = arith.constant 0 : i32
    %c0_i32_0 = arith.constant 0 : i32
    %c0_i32_1 = arith.constant 0 : i32
    return %c0_i32, %c0_i32_0 : i32, i32
  }
  func.func @transform_3(%arg0: i32) -> (i32, i32) {
    %c0_i32 = arith.constant 0 : i32
    %c0_i32_0 = arith.constant 0 : i32
    %c0_i32_1 = arith.constant 0 : i32
    return %c0_i32, %c0_i32_0 : i32, i32
  }
  func.func @transform_4(%arg0: i32) -> (i32, i32, i32) {
    %c0_i32 = arith.constant 0 : i32
    %c0_i32_0 = arith.constant 0 : i32
    %c0_i32_1 = arith.constant 0 : i32
    return %arg0, %c0_i32, %c0_i32_0 : i32, i32, i32
  }
}

module attributes {stable_mosaic.version = 14 : i64} {
  func.func @_dist_argmin_body(%arg0: i32, %arg1: memref<512x64xf32, #tpu.memory_space<vmem>>, %arg2: memref<512x1xf32, #tpu.memory_space<vmem>>, %arg3: memref<8192x64xf32, #tpu.memory_space<vmem>>, %arg4: memref<1x8192xf32, #tpu.memory_space<vmem>>, %arg5: memref<1x1x512xi32, #tpu.memory_space<vmem>>) attributes {dimension_semantics = [#tpu.dimension_semantics<arbitrary>], iteration_bounds = array<i64: 1>, scalar_prefetch = 0 : i64, scratch_operands = 0 : i64, tpu.core_type = #tpu.core_type<tc>, window_params = [{transform_indices = @transform_0, window_bounds = array<i64: 512, 64>}, {transform_indices = @transform_1, window_bounds = array<i64: 512, 1>}, {pipeline_mode = #tpu.pipeline_mode<synchronous>, transform_indices = @transform_2, window_bounds = array<i64: 8192, 64>}, {pipeline_mode = #tpu.pipeline_mode<synchronous>, transform_indices = @transform_3, window_bounds = array<i64: 1, 8192>}, {transform_indices = @transform_4, window_bounds = array<i64: 1, 1, 512>}]} {
    %get3A = arith.constant 0 : index
    %get3A_0 = arith.constant 0 : index
    %get3A_1 = vector.load %arg1[%get3A, %get3A_0] : memref<512x64xf32, #tpu.memory_space<vmem>>, vector<512x64xf32>
    %get3A_2 = arith.constant 0 : index
    %get3A_3 = arith.constant 0 : index
    %get3A_4 = vector.load %arg3[%get3A_2, %get3A_3] : memref<8192x64xf32, #tpu.memory_space<vmem>>, vector<8192x64xf32>
    %dot_general3A = arith.constant dense<0.000000e+00> : vector<512x8192xf32>
    %dot_general3A_5 = tpu.matmul %get3A_1, %get3A_4, %dot_general3A {dimension_numbers = #tpu.dot_dimension_numbers<[1], [1], [0], [0], [0, 0, 1, 0], [], []>, transpose_lhs_hint = false} : vector<512x64xf32>, vector<8192x64xf32>, vector<512x8192xf32> -> vector<512x8192xf32>
    %get3A_6 = arith.constant 0 : index
    %get3A_7 = arith.constant 0 : index
    %get3A_8 = vector.load %arg2[%get3A_6, %get3A_7] : memref<512x1xf32, #tpu.memory_space<vmem>>, vector<512x1xf32>
    %get3A_9 = arith.constant 0 : index
    %get3A_10 = arith.constant 0 : index
    %get3A_11 = vector.load %arg4[%get3A_9, %get3A_10] : memref<1x8192xf32, #tpu.memory_space<vmem>>, vector<1x8192xf32>
    %add3A = vector.broadcast %get3A_8 : vector<512x1xf32> to vector<512x8192xf32>
    %add3A_12 = vector.broadcast %get3A_11 : vector<1x8192xf32> to vector<512x8192xf32>
    %add3A_13 = arith.addf %add3A, %add3A_12 : vector<512x8192xf32>
    %mul3A = arith.constant 2.000000e+00 : f32
    %mul3A_14 = vector.broadcast %mul3A : f32 to vector<512x8192xf32>
    %mul3A_15 = arith.mulf %mul3A_14, %dot_general3A_5 : vector<512x8192xf32>
    %sub3A = arith.subf %add3A_13, %mul3A_15 : vector<512x8192xf32>
    %reduce_min3A = arith.constant dense<0x7F800000> : vector<512xf32>
    %reduce_min3A_16 = vector.multi_reduction <minimumf>, %sub3A, %reduce_min3A [1] : vector<512x8192xf32> to vector<512xf32>
    %broadcast_in_dim3A = vector.shape_cast %reduce_min3A_16 : vector<512xf32> to vector<512x1xf32>
    %eq3A = vector.broadcast %broadcast_in_dim3A : vector<512x1xf32> to vector<512x8192xf32>
    %eq3A_17 = arith.cmpf oeq, %sub3A, %eq3A : vector<512x8192xf32>
    %iota3A = tpu.iota {dimensions = array<i32: 1>} : vector<512x8192xi32>
    %jit3A = arith.constant 8192 : i32
    %broadcast_in_dim3A_18 = vector.broadcast %jit3A : i32 to vector<512x8192xi32>
    %select_n3A = arith.select %eq3A_17, %iota3A, %broadcast_in_dim3A_18 : vector<512x8192xi1>, vector<512x8192xi32>
    %reduce_min3A_19 = arith.constant dense<2147483647> : vector<512xi32>
    %reduce_min3A_20 = vector.multi_reduction <minsi>, %select_n3A, %reduce_min3A_19 [1] : vector<512x8192xi32> to vector<512xi32>
    %swap3A = arith.constant 0 : index
    %swap3A_21 = arith.constant 0 : index
    %swap3A_22 = arith.constant 0 : index
    %swap3A_23 = vector.load %arg5[%swap3A, %swap3A_21, %swap3A_22] : memref<1x1x512xi32, #tpu.memory_space<vmem>>, vector<1x1x512xi32>
    %swap3A_24 = vector.shape_cast %swap3A_23 : vector<1x1x512xi32> to vector<512xi32>
    %swap3A_25 = vector.shape_cast %reduce_min3A_20 : vector<512xi32> to vector<1x1x512xi32>
    tpu.vector_store %arg5[%swap3A, %swap3A_21, %swap3A_22], %swap3A_25 {strides = array<i32>} : memref<1x1x512xi32, #tpu.memory_space<vmem>>, vector<1x1x512xi32>,
    return
  }
  func.func @transform_0(%arg0: i32) -> (i32, i32) {
    %c0_i32 = arith.constant 0 : i32
    %c0_i32_0 = arith.constant 0 : i32
    return %arg0, %c0_i32 : i32, i32
  }
  func.func @transform_1(%arg0: i32) -> (i32, i32) {
    %c0_i32 = arith.constant 0 : i32
    %c0_i32_0 = arith.constant 0 : i32
    return %arg0, %c0_i32 : i32, i32
  }
  func.func @transform_2(%arg0: i32) -> (i32, i32) {
    %c0_i32 = arith.constant 0 : i32
    %c0_i32_0 = arith.constant 0 : i32
    %c0_i32_1 = arith.constant 0 : i32
    return %c0_i32, %c0_i32_0 : i32, i32
  }
  func.func @transform_3(%arg0: i32) -> (i32, i32) {
    %c0_i32 = arith.constant 0 : i32
    %c0_i32_0 = arith.constant 0 : i32
    %c0_i32_1 = arith.constant 0 : i32
    return %c0_i32, %c0_i32_0 : i32, i32
  }
  func.func @transform_4(%arg0: i32) -> (i32, i32, i32) {
    %c0_i32 = arith.constant 0 : i32
    %c0_i32_0 = arith.constant 0 : i32
    %c0_i32_1 = arith.constant 0 : i32
    return %arg0, %c0_i32, %c0_i32_0 : i32, i32, i32
  }
}

module attributes {stable_mosaic.version = 14 : i64} {
  func.func @_dist_argmin_body(%arg0: i32, %arg1: memref<512x64xf32, #tpu.memory_space<vmem>>, %arg2: memref<512x1xf32, #tpu.memory_space<vmem>>, %arg3: memref<8192x64xf32, #tpu.memory_space<vmem>>, %arg4: memref<1x8192xf32, #tpu.memory_space<vmem>>, %arg5: memref<1x1x512xi32, #tpu.memory_space<vmem>>) attributes {dimension_semantics = [#tpu.dimension_semantics<arbitrary>], iteration_bounds = array<i64: 4>, scalar_prefetch = 0 : i64, scratch_operands = 0 : i64, tpu.core_type = #tpu.core_type<tc>, window_params = [{transform_indices = @transform_0, window_bounds = array<i64: 512, 64>}, {transform_indices = @transform_1, window_bounds = array<i64: 512, 1>}, {pipeline_mode = #tpu.pipeline_mode<synchronous>, transform_indices = @transform_2, window_bounds = array<i64: 8192, 64>}, {pipeline_mode = #tpu.pipeline_mode<synchronous>, transform_indices = @transform_3, window_bounds = array<i64: 1, 8192>}, {transform_indices = @transform_4, window_bounds = array<i64: 1, 1, 512>}]} {
    %get3A = arith.constant 0 : index
    %get3A_0 = arith.constant 0 : index
    %get3A_1 = vector.load %arg1[%get3A, %get3A_0] : memref<512x64xf32, #tpu.memory_space<vmem>>, vector<512x64xf32>
    %get3A_2 = arith.constant 0 : index
    %get3A_3 = arith.constant 0 : index
    %get3A_4 = vector.load %arg3[%get3A_2, %get3A_3] : memref<8192x64xf32, #tpu.memory_space<vmem>>, vector<8192x64xf32>
    %dot_general3A = arith.constant dense<0.000000e+00> : vector<512x8192xf32>
    %dot_general3A_5 = tpu.matmul %get3A_1, %get3A_4, %dot_general3A {dimension_numbers = #tpu.dot_dimension_numbers<[1], [1], [0], [0], [0, 0, 1, 0], [], []>, transpose_lhs_hint = false} : vector<512x64xf32>, vector<8192x64xf32>, vector<512x8192xf32> -> vector<512x8192xf32>
    %get3A_6 = arith.constant 0 : index
    %get3A_7 = arith.constant 0 : index
    %get3A_8 = vector.load %arg2[%get3A_6, %get3A_7] : memref<512x1xf32, #tpu.memory_space<vmem>>, vector<512x1xf32>
    %get3A_9 = arith.constant 0 : index
    %get3A_10 = arith.constant 0 : index
    %get3A_11 = vector.load %arg4[%get3A_9, %get3A_10] : memref<1x8192xf32, #tpu.memory_space<vmem>>, vector<1x8192xf32>
    %add3A = vector.broadcast %get3A_8 : vector<512x1xf32> to vector<512x8192xf32>
    %add3A_12 = vector.broadcast %get3A_11 : vector<1x8192xf32> to vector<512x8192xf32>
    %add3A_13 = arith.addf %add3A, %add3A_12 : vector<512x8192xf32>
    %mul3A = arith.constant 2.000000e+00 : f32
    %mul3A_14 = vector.broadcast %mul3A : f32 to vector<512x8192xf32>
    %mul3A_15 = arith.mulf %mul3A_14, %dot_general3A_5 : vector<512x8192xf32>
    %sub3A = arith.subf %add3A_13, %mul3A_15 : vector<512x8192xf32>
    %reduce_min3A = arith.constant dense<0x7F800000> : vector<512xf32>
    %reduce_min3A_16 = vector.multi_reduction <minimumf>, %sub3A, %reduce_min3A [1] : vector<512x8192xf32> to vector<512xf32>
    %broadcast_in_dim3A = vector.shape_cast %reduce_min3A_16 : vector<512xf32> to vector<512x1xf32>
    %eq3A = vector.broadcast %broadcast_in_dim3A : vector<512x1xf32> to vector<512x8192xf32>
    %eq3A_17 = arith.cmpf oeq, %sub3A, %eq3A : vector<512x8192xf32>
    %iota3A = tpu.iota {dimensions = array<i32: 1>} : vector<512x8192xi32>
    %jit3A = arith.constant 8192 : i32
    %broadcast_in_dim3A_18 = vector.broadcast %jit3A : i32 to vector<512x8192xi32>
    %select_n3A = arith.select %eq3A_17, %iota3A, %broadcast_in_dim3A_18 : vector<512x8192xi1>, vector<512x8192xi32>
    %reduce_min3A_19 = arith.constant dense<2147483647> : vector<512xi32>
    %reduce_min3A_20 = vector.multi_reduction <minsi>, %select_n3A, %reduce_min3A_19 [1] : vector<512x8192xi32> to vector<512xi32>
    %swap3A = arith.constant 0 : index
    %swap3A_21 = arith.constant 0 : index
    %swap3A_22 = arith.constant 0 : index
    %swap3A_23 = vector.load %arg5[%swap3A, %swap3A_21, %swap3A_22] : memref<1x1x512xi32, #tpu.memory_space<vmem>>, vector<1x1x512xi32>
    %swap3A_24 = vector.shape_cast %swap3A_23 : vector<1x1x512xi32> to vector<512xi32>
    %swap3A_25 = vector.shape_cast %reduce_min3A_20 : vector<512xi32> to vector<1x1x512xi32>
    tpu.vector_store %arg5[%swap3A, %swap3A_21, %swap3A_22], %swap3A_25 {strides = array<i32>} : memref<1x1x512xi32, #tpu.memory_space<vmem>>, vector<1x1x512xi32>,
    return
  }
  func.func @transform_0(%arg0: i32) -> (i32, i32) {
    %c0_i32 = arith.constant 0 : i32
    %c0_i32_0 = arith.constant 0 : i32
    return %arg0, %c0_i32 : i32, i32
  }
  func.func @transform_1(%arg0: i32) -> (i32, i32) {
    %c0_i32 = arith.constant 0 : i32
    %c0_i32_0 = arith.constant 0 : i32
    return %arg0, %c0_i32 : i32, i32
  }
  func.func @transform_2(%arg0: i32) -> (i32, i32) {
    %c0_i32 = arith.constant 0 : i32
    %c0_i32_0 = arith.constant 0 : i32
    %c0_i32_1 = arith.constant 0 : i32
    return %c0_i32, %c0_i32_0 : i32, i32
  }
  func.func @transform_3(%arg0: i32) -> (i32, i32) {
    %c0_i32 = arith.constant 0 : i32
    %c0_i32_0 = arith.constant 0 : i32
    %c0_i32_1 = arith.constant 0 : i32
    return %c0_i32, %c0_i32_0 : i32, i32
  }
  func.func @transform_4(%arg0: i32) -> (i32, i32, i32) {
    %c0_i32 = arith.constant 0 : i32
    %c0_i32_0 = arith.constant 0 : i32
    %c0_i32_1 = arith.constant 0 : i32
    return %arg0, %c0_i32, %c0_i32_0 : i32, i32, i32
  }
}

module attributes {stable_mosaic.version = 14 : i64} {
  func.func @_dist_argmin_body(%arg0: i32, %arg1: memref<512x64xf32, #tpu.memory_space<vmem>>, %arg2: memref<512x1xf32, #tpu.memory_space<vmem>>, %arg3: memref<8192x64xf32, #tpu.memory_space<vmem>>, %arg4: memref<1x8192xf32, #tpu.memory_space<vmem>>, %arg5: memref<1x1x512xi32, #tpu.memory_space<vmem>>) attributes {dimension_semantics = [#tpu.dimension_semantics<arbitrary>], iteration_bounds = array<i64: 9>, scalar_prefetch = 0 : i64, scratch_operands = 0 : i64, tpu.core_type = #tpu.core_type<tc>, window_params = [{transform_indices = @transform_0, window_bounds = array<i64: 512, 64>}, {transform_indices = @transform_1, window_bounds = array<i64: 512, 1>}, {pipeline_mode = #tpu.pipeline_mode<synchronous>, transform_indices = @transform_2, window_bounds = array<i64: 8192, 64>}, {pipeline_mode = #tpu.pipeline_mode<synchronous>, transform_indices = @transform_3, window_bounds = array<i64: 1, 8192>}, {transform_indices = @transform_4, window_bounds = array<i64: 1, 1, 512>}]} {
    %get3A = arith.constant 0 : index
    %get3A_0 = arith.constant 0 : index
    %get3A_1 = vector.load %arg1[%get3A, %get3A_0] : memref<512x64xf32, #tpu.memory_space<vmem>>, vector<512x64xf32>
    %get3A_2 = arith.constant 0 : index
    %get3A_3 = arith.constant 0 : index
    %get3A_4 = vector.load %arg3[%get3A_2, %get3A_3] : memref<8192x64xf32, #tpu.memory_space<vmem>>, vector<8192x64xf32>
    %dot_general3A = arith.constant dense<0.000000e+00> : vector<512x8192xf32>
    %dot_general3A_5 = tpu.matmul %get3A_1, %get3A_4, %dot_general3A {dimension_numbers = #tpu.dot_dimension_numbers<[1], [1], [0], [0], [0, 0, 1, 0], [], []>, transpose_lhs_hint = false} : vector<512x64xf32>, vector<8192x64xf32>, vector<512x8192xf32> -> vector<512x8192xf32>
    %get3A_6 = arith.constant 0 : index
    %get3A_7 = arith.constant 0 : index
    %get3A_8 = vector.load %arg2[%get3A_6, %get3A_7] : memref<512x1xf32, #tpu.memory_space<vmem>>, vector<512x1xf32>
    %get3A_9 = arith.constant 0 : index
    %get3A_10 = arith.constant 0 : index
    %get3A_11 = vector.load %arg4[%get3A_9, %get3A_10] : memref<1x8192xf32, #tpu.memory_space<vmem>>, vector<1x8192xf32>
    %add3A = vector.broadcast %get3A_8 : vector<512x1xf32> to vector<512x8192xf32>
    %add3A_12 = vector.broadcast %get3A_11 : vector<1x8192xf32> to vector<512x8192xf32>
    %add3A_13 = arith.addf %add3A, %add3A_12 : vector<512x8192xf32>
    %mul3A = arith.constant 2.000000e+00 : f32
    %mul3A_14 = vector.broadcast %mul3A : f32 to vector<512x8192xf32>
    %mul3A_15 = arith.mulf %mul3A_14, %dot_general3A_5 : vector<512x8192xf32>
    %sub3A = arith.subf %add3A_13, %mul3A_15 : vector<512x8192xf32>
    %reduce_min3A = arith.constant dense<0x7F800000> : vector<512xf32>
    %reduce_min3A_16 = vector.multi_reduction <minimumf>, %sub3A, %reduce_min3A [1] : vector<512x8192xf32> to vector<512xf32>
    %broadcast_in_dim3A = vector.shape_cast %reduce_min3A_16 : vector<512xf32> to vector<512x1xf32>
    %eq3A = vector.broadcast %broadcast_in_dim3A : vector<512x1xf32> to vector<512x8192xf32>
    %eq3A_17 = arith.cmpf oeq, %sub3A, %eq3A : vector<512x8192xf32>
    %iota3A = tpu.iota {dimensions = array<i32: 1>} : vector<512x8192xi32>
    %jit3A = arith.constant 8192 : i32
    %broadcast_in_dim3A_18 = vector.broadcast %jit3A : i32 to vector<512x8192xi32>
    %select_n3A = arith.select %eq3A_17, %iota3A, %broadcast_in_dim3A_18 : vector<512x8192xi1>, vector<512x8192xi32>
    %reduce_min3A_19 = arith.constant dense<2147483647> : vector<512xi32>
    %reduce_min3A_20 = vector.multi_reduction <minsi>, %select_n3A, %reduce_min3A_19 [1] : vector<512x8192xi32> to vector<512xi32>
    %swap3A = arith.constant 0 : index
    %swap3A_21 = arith.constant 0 : index
    %swap3A_22 = arith.constant 0 : index
    %swap3A_23 = vector.load %arg5[%swap3A, %swap3A_21, %swap3A_22] : memref<1x1x512xi32, #tpu.memory_space<vmem>>, vector<1x1x512xi32>
    %swap3A_24 = vector.shape_cast %swap3A_23 : vector<1x1x512xi32> to vector<512xi32>
    %swap3A_25 = vector.shape_cast %reduce_min3A_20 : vector<512xi32> to vector<1x1x512xi32>
    tpu.vector_store %arg5[%swap3A, %swap3A_21, %swap3A_22], %swap3A_25 {strides = array<i32>} : memref<1x1x512xi32, #tpu.memory_space<vmem>>, vector<1x1x512xi32>,
    return
  }
  func.func @transform_0(%arg0: i32) -> (i32, i32) {
    %c0_i32 = arith.constant 0 : i32
    %c0_i32_0 = arith.constant 0 : i32
    return %arg0, %c0_i32 : i32, i32
  }
  func.func @transform_1(%arg0: i32) -> (i32, i32) {
    %c0_i32 = arith.constant 0 : i32
    %c0_i32_0 = arith.constant 0 : i32
    return %arg0, %c0_i32 : i32, i32
  }
  func.func @transform_2(%arg0: i32) -> (i32, i32) {
    %c0_i32 = arith.constant 0 : i32
    %c0_i32_0 = arith.constant 0 : i32
    %c0_i32_1 = arith.constant 0 : i32
    return %c0_i32, %c0_i32_0 : i32, i32
  }
  func.func @transform_3(%arg0: i32) -> (i32, i32) {
    %c0_i32 = arith.constant 0 : i32
    %c0_i32_0 = arith.constant 0 : i32
    %c0_i32_1 = arith.constant 0 : i32
    return %c0_i32, %c0_i32_0 : i32, i32
  }
  func.func @transform_4(%arg0: i32) -> (i32, i32, i32) {
    %c0_i32 = arith.constant 0 : i32
    %c0_i32_0 = arith.constant 0 : i32
    %c0_i32_1 = arith.constant 0 : i32
    return %arg0, %c0_i32, %c0_i32_0 : i32, i32, i32
  }
}

</mosaic_0001>

<sc_bundles>
// kernel: kernel.13.cloned.1.call-start
scs
__scs_entry_jumppad:
0x0: {  	(pc) =	sbr.rel $0x88, $3  }
0x1: {  	(tag) =	ssettag $0x0;
	lr =	simm.s32 $0x1  }
0x2: {  	[smem:$0x3F9F] =	sst lr;
	_ =	strace $0xD0000000  }
0x3: {  	_ = 	snop  }
0x4: {  	_ = 	snop  }
0x5: {  	_ = 	snop  }
0x6: {  	_ = 	snop  }
0x7: {  	_ = 	snop  }
__scs_overlays_trampoline_lowered:
0x8: {  	[smem:$0x3FAE] =	sst s0  }
0x9: {  	[smem:$0x3FAF] =	sst s1  }
0xa: {  	[smem:$0x3FB0] =	sst s2  }
0xb: {  	[smem:$0x3FB1] =	sst s3  }
0xc: {  	[smem:$0x3FB2] =	sst s4  }
0xd: {  	[smem:$0x3FB3] =	sst s5  }
0xe: {  	[smem:$0x3FB4] =	sst s6  }
0xf: {  	[smem:$0x3FB5] =	sst s7  }
0x10: {  	[smem:$0x3FB6] =	sst s8  }
0x11: {  	[smem:$0x3FB7] =	sst s9;
	s0 =	simm.s32 @!p0 $0x0  }
0x12: {  	s1 =	sld [smem:$0x3F9D];
	s0 =	simm.s32 @p0 $0x1  }
0x13: {  	[smem:$0x3FB8] =	sst s0;
	s0 =	simm.s32 @!p1 $0x0  }
0x14: {  	s2 =	sld [smem:$0x3F9C];
	s0 =	simm.s32 @p1 $0x1  }
0x15: {  	[smem:$0x3FB9] =	sst s0;
	s0 =	simm.s32 @!p2 $0x0  }
0x16: {  	s3 =	sld [smem:$0x3FDB];
	s0 =	simm.s32 @p2 $0x1  }
0x17: {  	s4 =	simm.s32 $0x1BF5;
	[smem:$0x3FBB] =	sst s0  }
0x18: {  	s0 =	sld [smem:$0x3F9E];
	_ =	swait.ge [sflag:s4], $0x0  }
0x19: {  	s7 =	sld [smem:$0x3F9F]  }
0x1a: {  	s8 =	sadd.s32 $0xFFFFE003, lr  }
0x1b: {  	s9 =	sadd.s32 $0xFFFFFEF7, lr;
	s5 =	simm.s32 $0xFFFFFFFF;
	p2 =	slt.u32 s8, $0xFFFFF086  }
0x1c: {  	p1 =	slt.u32 s9, $0xF7A;
	s5 =	simm.s32 @!p2 $0x0  }
0x1d: {  	s5 =	simm.s32 @p1 $0x1;
	p0 =	seq.s32 s7, s2  }
0x1e: {  	s7 =	smul.u32 @!p0 $0xF7A, s2;
	p2 =	seq.s32 @!p0 s5, $0x0  }
0x1f: {  	s9 =	smul.u32 $0xF7A, s1;
	s8 =	simm.s32 @!p0 $0x1BF5;
	p2 =	por !p2, p0  }
0x20: {  	[sflag:s8] =	ssyncset.s32 @!p0 $0xFFFFF086;
	s6 =	sadd.s32 @!p0 s3, s7;
	s7 =	simm.s32 @!p0 $0x108  }
0x21: {  	s3 =	sadd.s32 s3, s9;
	s6 =	sadd.s32 @!p0 $0x88, s6;
	s7 =	simm.s32 @p2 $0x1082  }
0x22: {  	[simem:s7], [sflag:s8] =	dma.local @!p0 [hbm:s6], $0xF7A  }
0x23: {  	s9 =	sor.u32 $0xD0000000, s2;
	s6 =	simm.s32 $0x108;
	_ =	swait.ge @!p0 [sflag:s8], $0x0  }
0x24: {  	s3 =	sadd.s32 $0x88, s3;
	s6 =	simm.s32 @!p1 $0x1082;
	[sflag:s4] =	ssyncset.s32 $0xFFFFF086  }
0x25: {  	[simem:s6], [sflag:s4] =	dma.local [hbm:s3], $0xF7A  }
0x26: {  	[smem:$0x3F9F] =	sst s1;
	(tag) =	ssettag s2;
	_ =	strace s9  }
0x27: {  	s1 =	sld [smem:$0x3FAF]  }
0x28: {  	s2 =	sld [smem:$0x3FB0]  }
0x29: {  	s4 =	sld [smem:$0x3FB2]  }
0x2a: {  	p0 =	seq.s32 s5, $0x0;
	s5 =	sld [smem:$0x3FB3]  }
0x2b: {  	s6 =	sld [smem:$0x3FB4]  }
0x2c: {  	s7 =	sld [smem:$0x3FB5]  }
0x2d: {  	s3 =	simm.s32 $0x108;
	s8 =	sld [smem:$0x3FB6]  }
0x2e: {  	s3 =	simm.s32 @!p0 $0x1082;
	s9 =	sld [smem:$0x3FB7]  }
0x2f: {  	lr =	sadd.s32 s0, s3;
	s0 =	sld [smem:$0x3FAE]  }
0x30: {  	s3 =	sld [smem:$0x3FB1]  }
0x31: {  	[smem:$0x3FBA] =	sst s10  }
0x32: {  	s10 =	sld [smem:$0x3FB8];
	_ =	sdelay $0x3  }
0x33: {  	p0 =	seq.s32 s10, $0x1;
	s10 =	sld [smem:$0x3FBA];
	_ =	sdelay $0x3  }
0x34: {  	[smem:$0x3FBA] =	sst s10  }
0x35: {  	s10 =	sld [smem:$0x3FB9];
	_ =	sdelay $0x3  }
0x36: {  	p1 =	seq.s32 s10, $0x1;
	s10 =	sld [smem:$0x3FBA];
	_ =	sdelay $0x3  }
0x37: {  	[smem:$0x3FBA] =	sst s10  }
0x38: {  	s10 =	sld [smem:$0x3FBB]  }
0x39: {  	_ = 	snop;
	(pc) =	sbr.ind lr, $3  }
0x3a: {  	_ = 	snop  }
0x3b: {  	_ = 	snop  }
0x3c: {  	p2 =	seq.s32 s10, $0x1;
	s10 =	sld [smem:$0x3FBA]  }
0x3d: {  	_ =	shalt  }
0x3e: {  	_ =	shalt  }
0x3f: {  	_ =	shalt  }
0x40: {  	_ =	shalt  }
0x41: {  	_ =	shalt  }
0x42: {  	_ =	shalt  }
0x43: {  	_ =	shalt  }
0x44: {  	_ =	shalt  }
0x45: {  	_ =	shalt  }
0x46: {  	_ =	shalt  }
0x47: {  	_ =	shalt  }
0x48: {  	_ =	shalt  }
0x49: {  	_ =	shalt  }
0x4a: {  	_ =	shalt  }
0x4b: {  	_ =	shalt  }
0x4c: {  	_ =	shalt  }
0x4d: {  	_ =	shalt  }
0x4e: {  	_ =	shalt  }
0x4f: {  	_ =	shalt  }
0x50: {  	_ =	shalt  }
0x51: {  	_ =	shalt  }
0x52: {  	_ =	shalt  }
0x53: {  	_ =	shalt  }
0x54: {  	_ =	shalt  }
0x55: {  	_ =	shalt  }
0x56: {  	_ =	shalt  }
0x57: {  	_ =	shalt  }
0x58: {  	_ =	shalt  }
0x59: {  	_ =	shalt  }
0x5a: {  	_ =	shalt  }
0x5b: {  	_ =	shalt  }
0x5c: {  	_ =	shalt  }
0x5d: {  	_ =	shalt  }
0x5e: {  	_ =	shalt  }
0x5f: {  	_ =	shalt  }
0x60: {  	_ =	shalt  }
0x61: {  	_ =	shalt  }
0x62: {  	_ =	shalt  }
0x63: {  	_ =	shalt  }
0x64: {  	_ =	shalt  }
0x65: {  	_ =	shalt  }
0x66: {  	_ =	shalt  }
0x67: {  	_ =	shalt  }
0x68: {  	_ =	shalt  }
0x69: {  	_ =	shalt  }
0x6a: {  	_ =	shalt  }
0x6b: {  	_ =	shalt  }
0x6c: {  	_ =	shalt  }
0x6d: {  	_ =	shalt  }
0x6e: {  	_ =	shalt  }
0x6f: {  	_ =	shalt  }
0x70: {  	_ =	shalt  }
0x71: {  	_ =	shalt  }
0x72: {  	_ =	shalt  }
0x73: {  	_ =	shalt  }
0x74: {  	_ =	shalt  }
0x75: {  	_ =	shalt  }
0x76: {  	_ =	shalt  }
0x77: {  	_ =	shalt  }
0x78: {  	_ =	shalt  }
0x79: {  	_ =	shalt  }
0x7a: {  	_ =	shalt  }
0x7b: {  	_ =	shalt  }
0x7c: {  	_ =	shalt  }
0x7d: {  	_ =	shalt  }
0x7e: {  	_ =	shalt  }
0x7f: {  	_ =	shalt  }
0x80: {  	_ =	shalt  }
0x81: {  	_ =	shalt  }
0x82: {  	_ =	shalt  }
0x83: {  	_ =	shalt  }
0x84: {  	_ =	shalt  }
0x85: {  	_ =	shalt  }
0x86: {  	_ =	shalt  }
0x87: {  	_ =	shalt  }
.Lfunc_end0:
.L_simem_size_0:
called_computation_lowered:
.L_overlay_start_0:
0x88: {  	s2 =	sld [smem:$0x3FD9]  }
0x89: {  	s3 =	sld [smem:$0x3FFE];
	_ =	sdelay $0x1  }
0x8a: {  	s1 =	srdreg.scid  }
0x8b: {  	s0 =	sand.u32 $0x1, s1  }
0x8c: {  	s14 =	sshll.u32 s0, $0xA;
	s2 =	sadd.s32 s3, s2  }
0x8d: {  	s2 =	sadd.s32 s2, s14  }
0x8e: {  	[smem:$0x3FC6] =	sst s2  }
0x8f: {  	_ = 	snop  }
0x90: {  	s2 =	sld [smem:$0x3FD0];
	_ =	sdelay $0x2  }
0x91: {  	s15 =	simm.s32 $0xA;
	s4 =	simm.s32 $0x10  }
0x92: {  	[smem:s4], [sflag:s15] =	dma.local [hbm:s2], $0x1  }
0x93: {  	_ =	swait.eq [sflag:s15], $0x1  }
0x94: {  	[sflag:s15] =	ssyncset.done $0x0  }
0x95: {  	[sflag:s15] =	ssyncadd.s32 $0xFFFFFFFF  }
0x96: {  	s16 =	sld [smem:$0x10];
	(tm) =	ssettm $0x1  }
0x97: {  	s17 =	sld [smem:$0x3FFB];
	_ =	sdelay $0x3  }
0x98: {  	_ =	strace s17  }
0x99: {  	s3 =	sld [smem:$0x3FFC];
	_ =	sdelay $0x3  }
0x9a: {  	_ =	strace s3  }
0x9b: {  	s3 =	sld [smem:$0x3FFD];
	_ =	sdelay $0x3  }
0x9c: {  	_ =	strace s3  }
0x9d: {  	_ =	strace $0x8FFFFFFF  }
0x9e: {  	s18 =	sld [smem:$0x3FDB];
	_ =	sdelay $0x1  }
0x9f: {  	s19 =	simm.s32 $_scs_section_size  }
0xa0: {  	s5 =	simm.s32 $_size__tile_overlayer_lowered;
	s6 =	simm.s32 $_tile_overlayer_lowered  }
0xa1: {  	s22 =	simm.s32 $0x1BFF;
	s21 =	sshll.u32 s6, $0x1;
	s3 =	sadd.s32 s19, s18  }
0xa2: {  	s7 =	simm.s32 $0x0;
	s20 =	sshll.u32 s5, $0x1;
	s5 =	sadd.s32 s21, s3  }
0xa3: {  	[timem:s7], [sflag:s22] =	dma.local [hbm:s5], s20  }
0xa4: {  	_ =	swait.ge [sflag:s22], s20  }
0xa5: {  	s4 =	ssub.s32 $0x0, s20;
	[sflag:s22] =	ssyncset.done $0x0  }
0xa6: {  	[sflag:s22] =	ssyncadd.s32 s4;
	_ =	sdelay $0x1  }
0xa7: {  	s23 =	simm.s32 $0x1B8B  }
0xa8: {  	_ =	swait.ge [sflag:s23], $0x1  }
0xa9: {  	[sflag:s23] =	ssyncset.done $0x0  }
0xaa: {  	s25 =	simm.s32 $0x1B8E;
	s24 =	sld [smem:$0x3FFE];
	[sflag:s23] =	ssyncadd.s32 $0xFFFFFFFF  }
0xab: {  	s26 =	simm.s32 $execute0_lowered;
	[smem:$0x3FD2] =	sst s25  }
0xac: {  	s5 =	sshll.u32 s26, $0x1;
	_ =	strace $0x80000046;
	[dreg:$0x1] =	wrdreg $0xFFFFFFFF  }
0xad: {  	s28 =	simm.s32 $_size_execute0_lowered;
	s3 =	sadd.s32 s3, s5;
	[dreg:$0x0] =	wrdreg $0x0  }
0xae: {  	s5 =	sshll.u32 s28, $0x1;
	[dreg:$0x2] =	wrdreg s3  }
0xaf: {  	[dreg:$0x3] =	wrdreg s5  }
0xb0: {  	[dreg:$0x4] =	wrdreg $0xC0  }
0xb1: {  	_ =	task [dreg:s7], $0x5FFFF  }
0xb2: {  	[dreg:$0x1] =	wrdreg $0xFFFFFFFF  }
0xb3: {  	[dreg:$0x0] =	wrdreg $0x60  }
0xb4: {  	[dreg:$0x2] =	wrdreg s24  }
0xb5: {  	[dreg:$0x3] =	wrdreg s16  }
0xb6: {  	[dreg:$0x4] =	wrdreg $0x9  }
0xb7: {  	_ =	task.clear_ibuf [dreg:s7], $0x5FFFF;
	_ =	strace $0x90000046  }
0xb8: {  	s29 =	simm.s32 $0x9;
	_ =	strace $0x80000048  }
0xb9: {  	_ =	swait.ge [sflag:s29], $0x1  }
0xba: {  	[sflag:s29] =	ssyncadd.s32 $0xFFFFFFFF  }
0xbb: {  	_ =	strace $0x90000048  }
0xbc: {  	_ =	sfence  }
0xbd: {  	s30 =	sld [smem:$0x0];
	_ =	sdelay $0x2  }
0xbe: {  	s31 =	sshll.u32 s1, $0xD;
	s1 =	sshrl.u32 s1, $0x2  }
0xbf: {  	s3 =	sand.u32 $0x4000, s31;
	s1 =	sadd.s32 s1, s30  }
0xc0: {  	s0 =	sor.u32 s3, s0;
	s1 =	sshll.u32 s1, $0x11  }
0xc1: {  	s0 =	sor.u32 s1, s0  }
0xc2: {  	s0 =	sadd.s32 $0x8F2B, s0  }
0xc3: {  	[sflag:s0] =	ssyncadd.remote.s32 $0x1  }
0xc4: {  	_ =	sfence.sel $0xFFFF  }
0xc5: {  	[dreg:$0x0] =	wrdreg $0xFFFFFFFF;
	(pc) =	sbr.abs _section_cstart, $3  }
0xc6: {  	[dreg:$0x1] =	wrdreg $0xFFFFFFFF  }
0xc7: {  	_ =	task.clear_ibuf [dreg:s7], $0x2FFFF;
	_ =	strace $0x9FFFFFFF  }
0xc8: {  	(tm) =	ssettm $0x7FFFFFFF  }
0xc9: {  	_ =	shalt  }
tec
execute0_lowered:
.L_overlay_start_1:
0x0: {  	(tag) =	ssettag $0x1  }
0x1: {  	s1 =	srdreg.scid  }
0x2: {  	s0 =	stileid.u32;
	s6 =	sand.u32 $0x1, s1  }
0x3: {  	s5 =	rddreg [dreg:$0x0];
	s30 =	sshll.u32 s0, $0x4;
	s2 =	sshll.u32 s6, $0x3  }
0x4: {  	s9 =	rddreg [dreg:$0x1];
	s7 =	simm.s32 $0x80;
	s10 =	sor.u32 s2, s30  }
0x5: {  	s1 =	rddreg [dreg:$0x2];
	s2 =	simm.s32 $0x0;
	s3 =	sshrl.u32 s10, $0x3  }
0x6: {  	s11 =	ssub.s32 $0x2, s6;
	[smem:$0x7FF] =	sst s2;
	s3 =	sadd.s32 s3, s5  }
0x7: {  	_ =	strace $0x80000047;
	s4 =	sadd.s32 $0x58000, s3;
	s3 =	simm.s32 $0x2  }
0x8: {  	[tilespmem:s2], [sflag:$0x2] =	stream.linear.gather [hbm4b:s4+s2], $0x8, $0x38;
	[tilespmem:$0x480] =	vst v63  }
0x9: {  	s8 =	simm.s32 $0x1;
	s12 =	sshrl.u32 s11, $0x1;
	_ =	swait.ge [sflag:s3], $0x8  }
0xa: {  	s6 =	simm.s32 $0x8;
	s11 =	ssub.s32 s11, s12;
	[sflag:s3] =	ssyncset.done $0x0  }
0xb: {  	s5 =	sadd.s32 $0x48000, s5;
	s31 =	smax.u32 s11, $0x1;
	[sflag:s3] =	ssyncadd.s32 $0xFFFFFFF8  }
0xc: {  	[tilespmem:s7], [sflag:$0x1] =	stream.indirect.gather [hbm4b:s5+s6], $0x80, s2, s6, $0xb8;
	[tilespmem:$0x480] =	vst v63  }
0xd: {  	p0 =	sne.s32 s31, $0x1;
	_ =	swait.ge [sflag:s8], $0x400  }
.Ltmp0:
0xe: {  	s10 =	sshll.u32 s10, $0x4;
	[sflag:s8] =	ssyncset.done $0x0;
	(pc) =	sbr.rel @!p0 .LBB2_2-.Ltmp0, $4  }
0xf: {  	s9 =	sadd.s32 s9, s10;
	[sflag:s8] =	ssyncadd.s32 $0xFFFFFC00  }
0x10: {  	[hbm4b:s9+s2] =	stream.linear.scatter [tilespmem:s7], [sflag:$0x2], $0x400, $0x38;
	[tilespmem:$0x480] =	vst v63  }
0x11: {  	_ =	swait.ge [sflag:s3], $0x400  }
0x12: {  	s10 =	sadd.s32 $0xFFFFFFFF, s31;
	[sflag:s3] =	ssyncset.done $0x0  }
.LBB2_1:
0x13: {  	p0 =	sne.s32 s10, $0x1;
	s10 =	sadd.s32 $0xFFFFFFFF, s10;
	[sflag:s3] =	ssyncadd.s32 $0xFFFFFC00  }
0x14: {  	[tilespmem:s2], [sflag:$0x2] =	stream.linear.gather [hbm4b:s4+s2], $0x8, $0x38;
	[tilespmem:$0x480] =	vst v63  }
0x15: {  	_ =	swait.ge [sflag:s3], $0x8  }
0x16: {  	[sflag:s3] =	ssyncset.done $0x0  }
0x17: {  	[sflag:s3] =	ssyncadd.s32 $0xFFFFFFF8  }
0x18: {  	[tilespmem:s7], [sflag:$0x1] =	stream.indirect.gather [hbm4b:s5+s6], $0x80, s2, s6, $0xb8;
	[tilespmem:$0x480] =	vst v63  }
0x19: {  	_ =	swait.ge [sflag:s8], $0x400  }
.Ltmp1:
0x1a: {  	[sflag:s8] =	ssyncset.done $0x0;
	(pc) =	sbr.rel @p0 .LBB2_1-.Ltmp1, $4  }
0x1b: {  	[sflag:s8] =	ssyncadd.s32 $0xFFFFFC00  }
0x1c: {  	[hbm4b:s9+s2] =	stream.linear.scatter [tilespmem:s7], [sflag:$0x2], $0x400, $0x38;
	[tilespmem:$0x480] =	vst v63  }
0x1d: {  	_ =	swait.ge [sflag:s3], $0x400  }
0x1e: {  	[sflag:s3] =	ssyncset.done $0x0  }
.LBB2_2:
0x1f: {  	[sflag:s3] =	ssyncadd.s32 $0xFFFFFC00  }
0x20: {  	_ =	sfence.sel $0x180000  }
0x21: {  	[bflag:$0x0] =	sbarrier.arrive $0xFFFF  }
0x22: {  	p0 =	sne.s32 s0, $0x0;
	_ =	strace $0x90000047  }
0x23: {  	s0 =	sadd.s32 @!p0 $0x100000, s1;
	[bflag:$0x2] =	sbarrier.arrive $0xFFFF  }
0x24: {  	[sflag:s0] =	ssyncadd.tile.s32 @!p0 $0x1;
	_ =	shalt  }
.Lfunc_end2:
_tile_overlayer_lowered:
.L_overlay_start_2:
0x25: {  	(tag) =	ssettag $0x2  }
0x26: {  	s0 =	rddreg [dreg:$0x0];
	s2 =	stileid.u32  }
0x27: {  	s1 =	rddreg [dreg:$0x1];
	p0 =	sne.s32 s2, $0x0  }
0x28: {  	s3 =	rddreg [dreg:$0x2];
	[bflag:$0x3] =	sbarrier.arrive $0xFFFF;
	s2 =	simm.s32 @!p0 $0x1C02  }
0x29: {  	[timem:s3], [sflag:s2] =	dma.local @!p0 [hbm:s0], s1  }
0x2a: {  	s0 =	simm.s32 @!p0 $0x2  }
0x2b: {  	_ =	swait.ge @!p0 [sflag:s0], s1  }
0x2c: {  	s1 =	ssub.s32 @!p0 $0x0, s1;
	[sflag:s0] =	ssyncset.done @!p0 $0x0  }
0x2d: {  	[sflag:s0] =	ssyncadd.s32 @!p0 s1  }
0x2e: {  	[bflag:$0x3] =	sbarrier.arrive $0xFFFF  }
0x2f: {  	_ =	shalt  }

// kernel: kernel.16.cloned.1.call-start
scs
__scs_entry_jumppad:
0x0: {  	(pc) =	sbr.rel $0x88, $3  }
0x1: {  	(tag) =	ssettag $0x0;
	lr =	simm.s32 $0x1  }
0x2: {  	[smem:$0x3F9F] =	sst lr;
	_ =	strace $0xD0000000  }
0x3: {  	_ = 	snop  }
0x4: {  	_ = 	snop  }
0x5: {  	_ = 	snop  }
0x6: {  	_ = 	snop  }
0x7: {  	_ = 	snop  }
__scs_overlays_trampoline_lowered:
0x8: {  	[smem:$0x3FAE] =	sst s0  }
0x9: {  	[smem:$0x3FAF] =	sst s1  }
0xa: {  	[smem:$0x3FB0] =	sst s2  }
0xb: {  	[smem:$0x3FB1] =	sst s3  }
0xc: {  	[smem:$0x3FB2] =	sst s4  }
0xd: {  	[smem:$0x3FB3] =	sst s5  }
0xe: {  	[smem:$0x3FB4] =	sst s6  }
0xf: {  	[smem:$0x3FB5] =	sst s7  }
0x10: {  	[smem:$0x3FB6] =	sst s8  }
0x11: {  	[smem:$0x3FB7] =	sst s9;
	s0 =	simm.s32 @!p0 $0x0  }
0x12: {  	s1 =	sld [smem:$0x3F9D];
	s0 =	simm.s32 @p0 $0x1  }
0x13: {  	[smem:$0x3FB8] =	sst s0;
	s0 =	simm.s32 @!p1 $0x0  }
0x14: {  	s2 =	sld [smem:$0x3F9C];
	s0 =	simm.s32 @p1 $0x1  }
0x15: {  	[smem:$0x3FB9] =	sst s0;
	s0 =	simm.s32 @!p2 $0x0  }
0x16: {  	s3 =	sld [smem:$0x3FDB];
	s0 =	simm.s32 @p2 $0x1  }
0x17: {  	s4 =	simm.s32 $0x1BF5;
	[smem:$0x3FBB] =	sst s0  }
0x18: {  	s0 =	sld [smem:$0x3F9E];
	_ =	swait.ge [sflag:s4], $0x0  }
0x19: {  	s7 =	sld [smem:$0x3F9F]  }
0x1a: {  	s8 =	sadd.s32 $0xFFFFE003, lr  }
0x1b: {  	s9 =	sadd.s32 $0xFFFFFEF7, lr;
	s5 =	simm.s32 $0xFFFFFFFF;
	p2 =	slt.u32 s8, $0xFFFFF086  }
0x1c: {  	p1 =	slt.u32 s9, $0xF7A;
	s5 =	simm.s32 @!p2 $0x0  }
0x1d: {  	s5 =	simm.s32 @p1 $0x1;
	p0 =	seq.s32 s7, s2  }
0x1e: {  	s7 =	smul.u32 @!p0 $0xF7A, s2;
	p2 =	seq.s32 @!p0 s5, $0x0  }
0x1f: {  	s9 =	smul.u32 $0xF7A, s1;
	s8 =	simm.s32 @!p0 $0x1BF5;
	p2 =	por !p2, p0  }
0x20: {  	[sflag:s8] =	ssyncset.s32 @!p0 $0xFFFFF086;
	s6 =	sadd.s32 @!p0 s3, s7;
	s7 =	simm.s32 @!p0 $0x108  }
0x21: {  	s3 =	sadd.s32 s3, s9;
	s6 =	sadd.s32 @!p0 $0x88, s6;
	s7 =	simm.s32 @p2 $0x1082  }
0x22: {  	[simem:s7], [sflag:s8] =	dma.local @!p0 [hbm:s6], $0xF7A  }
0x23: {  	s9 =	sor.u32 $0xD0000000, s2;
	s6 =	simm.s32 $0x108;
	_ =	swait.ge @!p0 [sflag:s8], $0x0  }
0x24: {  	s3 =	sadd.s32 $0x88, s3;
	s6 =	simm.s32 @!p1 $0x1082;
	[sflag:s4] =	ssyncset.s32 $0xFFFFF086  }
0x25: {  	[simem:s6], [sflag:s4] =	dma.local [hbm:s3], $0xF7A  }
0x26: {  	[smem:$0x3F9F] =	sst s1;
	(tag) =	ssettag s2;
	_ =	strace s9  }
0x27: {  	s1 =	sld [smem:$0x3FAF]  }
0x28: {  	s2 =	sld [smem:$0x3FB0]  }
0x29: {  	s4 =	sld [smem:$0x3FB2]  }
0x2a: {  	p0 =	seq.s32 s5, $0x0;
	s5 =	sld [smem:$0x3FB3]  }
0x2b: {  	s6 =	sld [smem:$0x3FB4]  }
0x2c: {  	s7 =	sld [smem:$0x3FB5]  }
0x2d: {  	s3 =	simm.s32 $0x108;
	s8 =	sld [smem:$0x3FB6]  }
0x2e: {  	s3 =	simm.s32 @!p0 $0x1082;
	s9 =	sld [smem:$0x3FB7]  }
0x2f: {  	lr =	sadd.s32 s0, s3;
	s0 =	sld [smem:$0x3FAE]  }
0x30: {  	s3 =	sld [smem:$0x3FB1]  }
0x31: {  	[smem:$0x3FBA] =	sst s10  }
0x32: {  	s10 =	sld [smem:$0x3FB8];
	_ =	sdelay $0x3  }
0x33: {  	p0 =	seq.s32 s10, $0x1;
	s10 =	sld [smem:$0x3FBA];
	_ =	sdelay $0x3  }
0x34: {  	[smem:$0x3FBA] =	sst s10  }
0x35: {  	s10 =	sld [smem:$0x3FB9];
	_ =	sdelay $0x3  }
0x36: {  	p1 =	seq.s32 s10, $0x1;
	s10 =	sld [smem:$0x3FBA];
	_ =	sdelay $0x3  }
0x37: {  	[smem:$0x3FBA] =	sst s10  }
0x38: {  	s10 =	sld [smem:$0x3FBB]  }
0x39: {  	_ = 	snop;
	(pc) =	sbr.ind lr, $3  }
0x3a: {  	_ = 	snop  }
0x3b: {  	_ = 	snop  }
0x3c: {  	p2 =	seq.s32 s10, $0x1;
	s10 =	sld [smem:$0x3FBA]  }
0x3d: {  	_ =	shalt  }
0x3e: {  	_ =	shalt  }
0x3f: {  	_ =	shalt  }
0x40: {  	_ =	shalt  }
0x41: {  	_ =	shalt  }
0x42: {  	_ =	shalt  }
0x43: {  	_ =	shalt  }
0x44: {  	_ =	shalt  }
0x45: {  	_ =	shalt  }
0x46: {  	_ =	shalt  }
0x47: {  	_ =	shalt  }
0x48: {  	_ =	shalt  }
0x49: {  	_ =	shalt  }
0x4a: {  	_ =	shalt  }
0x4b: {  	_ =	shalt  }
0x4c: {  	_ =	shalt  }
0x4d: {  	_ =	shalt  }
0x4e: {  	_ =	shalt  }
0x4f: {  	_ =	shalt  }
0x50: {  	_ =	shalt  }
0x51: {  	_ =	shalt  }
0x52: {  	_ =	shalt  }
0x53: {  	_ =	shalt  }
0x54: {  	_ =	shalt  }
0x55: {  	_ =	shalt  }
0x56: {  	_ =	shalt  }
0x57: {  	_ =	shalt  }
0x58: {  	_ =	shalt  }
0x59: {  	_ =	shalt  }
0x5a: {  	_ =	shalt  }
0x5b: {  	_ =	shalt  }
0x5c: {  	_ =	shalt  }
0x5d: {  	_ =	shalt  }
0x5e: {  	_ =	shalt  }
0x5f: {  	_ =	shalt  }
0x60: {  	_ =	shalt  }
0x61: {  	_ =	shalt  }
0x62: {  	_ =	shalt  }
0x63: {  	_ =	shalt  }
0x64: {  	_ =	shalt  }
0x65: {  	_ =	shalt  }
0x66: {  	_ =	shalt  }
0x67: {  	_ =	shalt  }
0x68: {  	_ =	shalt  }
0x69: {  	_ =	shalt  }
0x6a: {  	_ =	shalt  }
0x6b: {  	_ =	shalt  }
0x6c: {  	_ =	shalt  }
0x6d: {  	_ =	shalt  }
0x6e: {  	_ =	shalt  }
0x6f: {  	_ =	shalt  }
0x70: {  	_ =	shalt  }
0x71: {  	_ =	shalt  }
0x72: {  	_ =	shalt  }
0x73: {  	_ =	shalt  }
0x74: {  	_ =	shalt  }
0x75: {  	_ =	shalt  }
0x76: {  	_ =	shalt  }
0x77: {  	_ =	shalt  }
0x78: {  	_ =	shalt  }
0x79: {  	_ =	shalt  }
0x7a: {  	_ =	shalt  }
0x7b: {  	_ =	shalt  }
0x7c: {  	_ =	shalt  }
0x7d: {  	_ =	shalt  }
0x7e: {  	_ =	shalt  }
0x7f: {  	_ =	shalt  }
0x80: {  	_ =	shalt  }
0x81: {  	_ =	shalt  }
0x82: {  	_ =	shalt  }
0x83: {  	_ =	shalt  }
0x84: {  	_ =	shalt  }
0x85: {  	_ =	shalt  }
0x86: {  	_ =	shalt  }
0x87: {  	_ =	shalt  }
.Lfunc_end0:
.L_simem_size_0:
called_computation.1_lowered:
.L_overlay_start_0:
0x88: {  	s2 =	sld [smem:$0x3FD9]  }
0x89: {  	s3 =	sld [smem:$0x3FFE];
	_ =	sdelay $0x1  }
0x8a: {  	s1 =	srdreg.scid  }
0x8b: {  	s0 =	sand.u32 $0x1, s1  }
0x8c: {  	s14 =	sshll.u32 s0, $0xA;
	s2 =	sadd.s32 s3, s2  }
0x8d: {  	s2 =	sadd.s32 s2, s14  }
0x8e: {  	[smem:$0x3FC6] =	sst s2  }
0x8f: {  	_ = 	snop  }
0x90: {  	s2 =	sld [smem:$0x3FD0];
	_ =	sdelay $0x2  }
0x91: {  	s15 =	simm.s32 $0xA;
	s4 =	simm.s32 $0x10  }
0x92: {  	[smem:s4], [sflag:s15] =	dma.local [hbm:s2], $0x1  }
0x93: {  	_ =	swait.eq [sflag:s15], $0x1  }
0x94: {  	[sflag:s15] =	ssyncset.done $0x0  }
0x95: {  	[sflag:s15] =	ssyncadd.s32 $0xFFFFFFFF  }
0x96: {  	s16 =	sld [smem:$0x10];
	(tm) =	ssettm $0x1  }
0x97: {  	s17 =	sld [smem:$0x3FFB];
	_ =	sdelay $0x3  }
0x98: {  	_ =	strace s17  }
0x99: {  	s3 =	sld [smem:$0x3FFC];
	_ =	sdelay $0x3  }
0x9a: {  	_ =	strace s3  }
0x9b: {  	s3 =	sld [smem:$0x3FFD];
	_ =	sdelay $0x3  }
0x9c: {  	_ =	strace s3  }
0x9d: {  	_ =	strace $0x8FFFFFFF  }
0x9e: {  	s18 =	sld [smem:$0x3FDB];
	_ =	sdelay $0x1  }
0x9f: {  	s19 =	simm.s32 $_scs_section_size  }
0xa0: {  	s5 =	simm.s32 $_size__tile_overlayer_lowered;
	s6 =	simm.s32 $_tile_overlayer_lowered  }
0xa1: {  	s22 =	simm.s32 $0x1BFF;
	s21 =	sshll.u32 s6, $0x1;
	s3 =	sadd.s32 s19, s18  }
0xa2: {  	s7 =	simm.s32 $0x0;
	s20 =	sshll.u32 s5, $0x1;
	s5 =	sadd.s32 s21, s3  }
0xa3: {  	[timem:s7], [sflag:s22] =	dma.local [hbm:s5], s20  }
0xa4: {  	_ =	swait.ge [sflag:s22], s20  }
0xa5: {  	s4 =	ssub.s32 $0x0, s20;
	[sflag:s22] =	ssyncset.done $0x0  }
0xa6: {  	[sflag:s22] =	ssyncadd.s32 s4;
	_ =	sdelay $0x1  }
0xa7: {  	s23 =	simm.s32 $0x1B8B  }
0xa8: {  	_ =	swait.ge [sflag:s23], $0x1  }
0xa9: {  	[sflag:s23] =	ssyncset.done $0x0  }
0xaa: {  	s25 =	simm.s32 $0x1B8E;
	s24 =	sld [smem:$0x3FFE];
	[sflag:s23] =	ssyncadd.s32 $0xFFFFFFFF  }
0xab: {  	s26 =	simm.s32 $execute0_lowered;
	[smem:$0x3FD2] =	sst s25  }
0xac: {  	s5 =	sshll.u32 s26, $0x1;
	_ =	strace $0x80000049;
	[dreg:$0x1] =	wrdreg $0xFFFFFFFF  }
0xad: {  	s28 =	simm.s32 $_size_execute0_lowered;
	s3 =	sadd.s32 s3, s5;
	[dreg:$0x0] =	wrdreg $0x0  }
0xae: {  	s5 =	sshll.u32 s28, $0x1;
	[dreg:$0x2] =	wrdreg s3  }
0xaf: {  	[dreg:$0x3] =	wrdreg s5  }
0xb0: {  	[dreg:$0x4] =	wrdreg $0xC0  }
0xb1: {  	_ =	task [dreg:s7], $0x5FFFF  }
0xb2: {  	[dreg:$0x1] =	wrdreg $0xFFFFFFFF  }
0xb3: {  	[dreg:$0x0] =	wrdreg $0x60  }
0xb4: {  	[dreg:$0x2] =	wrdreg s24  }
0xb5: {  	[dreg:$0x3] =	wrdreg s16  }
0xb6: {  	[dreg:$0x4] =	wrdreg $0x9  }
0xb7: {  	_ =	task.clear_ibuf [dreg:s7], $0x5FFFF;
	_ =	strace $0x90000049  }
0xb8: {  	s29 =	simm.s32 $0x9;
	_ =	strace $0x8000004B  }
0xb9: {  	_ =	swait.ge [sflag:s29], $0x1  }
0xba: {  	[sflag:s29] =	ssyncadd.s32 $0xFFFFFFFF  }
0xbb: {  	_ =	strace $0x9000004B  }
0xbc: {  	_ =	sfence  }
0xbd: {  	s30 =	sld [smem:$0x0];
	_ =	sdelay $0x2  }
0xbe: {  	s31 =	sshll.u32 s1, $0xD;
	s1 =	sshrl.u32 s1, $0x2  }
0xbf: {  	s3 =	sand.u32 $0x4000, s31;
	s1 =	sadd.s32 s1, s30  }
0xc0: {  	s0 =	sor.u32 s3, s0;
	s1 =	sshll.u32 s1, $0x11  }
0xc1: {  	s0 =	sor.u32 s1, s0  }
0xc2: {  	s0 =	sadd.s32 $0x8F2B, s0  }
0xc3: {  	[sflag:s0] =	ssyncadd.remote.s32 $0x1  }
0xc4: {  	_ =	sfence.sel $0xFFFF  }
0xc5: {  	[dreg:$0x0] =	wrdreg $0xFFFFFFFF;
	(pc) =	sbr.abs _section_cstart, $3  }
0xc6: {  	[dreg:$0x1] =	wrdreg $0xFFFFFFFF  }
0xc7: {  	_ =	task.clear_ibuf [dreg:s7], $0x2FFFF;
	_ =	strace $0x9FFFFFFF  }
0xc8: {  	(tm) =	ssettm $0x7FFFFFFF  }
0xc9: {  	_ =	shalt  }
tec
execute0_lowered:
.L_overlay_start_1:
0x0: {  	(tag) =	ssettag $0x1  }
0x1: {  	s1 =	srdreg.scid  }
0x2: {  	s0 =	stileid.u32;
	s6 =	sand.u32 $0x1, s1  }
0x3: {  	s5 =	rddreg [dreg:$0x0];
	s30 =	sshll.u32 s0, $0x4;
	s2 =	sshll.u32 s6, $0x3  }
0x4: {  	s9 =	rddreg [dreg:$0x1];
	s7 =	simm.s32 $0x80;
	s10 =	sor.u32 s2, s30  }
0x5: {  	s1 =	rddreg [dreg:$0x2];
	s2 =	simm.s32 $0x0;
	s3 =	sshrl.u32 s10, $0x3  }
0x6: {  	s11 =	ssub.s32 $0x2, s6;
	[smem:$0x7FF] =	sst s2;
	s3 =	sadd.s32 s3, s5  }
0x7: {  	_ =	strace $0x8000004A;
	s4 =	sadd.s32 $0x58000, s3;
	s3 =	simm.s32 $0x2  }
0x8: {  	[tilespmem:s2], [sflag:$0x2] =	stream.linear.gather [hbm4b:s4+s2], $0x8, $0x38;
	[tilespmem:$0x480] =	vst v63  }
0x9: {  	s8 =	simm.s32 $0x1;
	s12 =	sshrl.u32 s11, $0x1;
	_ =	swait.ge [sflag:s3], $0x8  }
0xa: {  	s6 =	simm.s32 $0x8;
	s11 =	ssub.s32 s11, s12;
	[sflag:s3] =	ssyncset.done $0x0  }
0xb: {  	s5 =	sadd.s32 $0x48000, s5;
	s31 =	smax.u32 s11, $0x1;
	[sflag:s3] =	ssyncadd.s32 $0xFFFFFFF8  }
0xc: {  	[tilespmem:s7], [sflag:$0x1] =	stream.indirect.gather [hbm4b:s5+s6], $0x80, s2, s6, $0xb8;
	[tilespmem:$0x480] =	vst v63  }
0xd: {  	p0 =	sne.s32 s31, $0x1;
	_ =	swait.ge [sflag:s8], $0x400  }
.Ltmp0:
0xe: {  	s10 =	sshll.u32 s10, $0x4;
	[sflag:s8] =	ssyncset.done $0x0;
	(pc) =	sbr.rel @!p0 .LBB2_2-.Ltmp0, $4  }
0xf: {  	s9 =	sadd.s32 s9, s10;
	[sflag:s8] =	ssyncadd.s32 $0xFFFFFC00  }
0x10: {  	[hbm4b:s9+s2] =	stream.linear.scatter [tilespmem:s7], [sflag:$0x2], $0x400, $0x38;
	[tilespmem:$0x480] =	vst v63  }
0x11: {  	_ =	swait.ge [sflag:s3], $0x400  }
0x12: {  	s10 =	sadd.s32 $0xFFFFFFFF, s31;
	[sflag:s3] =	ssyncset.done $0x0  }
.LBB2_1:
0x13: {  	p0 =	sne.s32 s10, $0x1;
	s10 =	sadd.s32 $0xFFFFFFFF, s10;
	[sflag:s3] =	ssyncadd.s32 $0xFFFFFC00  }
0x14: {  	[tilespmem:s2], [sflag:$0x2] =	stream.linear.gather [hbm4b:s4+s2], $0x8, $0x38;
	[tilespmem:$0x480] =	vst v63  }
0x15: {  	_ =	swait.ge [sflag:s3], $0x8  }
0x16: {  	[sflag:s3] =	ssyncset.done $0x0  }
0x17: {  	[sflag:s3] =	ssyncadd.s32 $0xFFFFFFF8  }
0x18: {  	[tilespmem:s7], [sflag:$0x1] =	stream.indirect.gather [hbm4b:s5+s6], $0x80, s2, s6, $0xb8;
	[tilespmem:$0x480] =	vst v63  }
0x19: {  	_ =	swait.ge [sflag:s8], $0x400  }
.Ltmp1:
0x1a: {  	[sflag:s8] =	ssyncset.done $0x0;
	(pc) =	sbr.rel @p0 .LBB2_1-.Ltmp1, $4  }
0x1b: {  	[sflag:s8] =	ssyncadd.s32 $0xFFFFFC00  }
0x1c: {  	[hbm4b:s9+s2] =	stream.linear.scatter [tilespmem:s7], [sflag:$0x2], $0x400, $0x38;
	[tilespmem:$0x480] =	vst v63  }
0x1d: {  	_ =	swait.ge [sflag:s3], $0x400  }
0x1e: {  	[sflag:s3] =	ssyncset.done $0x0  }
.LBB2_2:
0x1f: {  	[sflag:s3] =	ssyncadd.s32 $0xFFFFFC00  }
0x20: {  	_ =	sfence.sel $0x180000  }
0x21: {  	[bflag:$0x0] =	sbarrier.arrive $0xFFFF  }
0x22: {  	p0 =	sne.s32 s0, $0x0;
	_ =	strace $0x9000004A  }
0x23: {  	s0 =	sadd.s32 @!p0 $0x100000, s1;
	[bflag:$0x2] =	sbarrier.arrive $0xFFFF  }
0x24: {  	[sflag:s0] =	ssyncadd.tile.s32 @!p0 $0x1;
	_ =	shalt  }
.Lfunc_end2:
_tile_overlayer_lowered:
.L_overlay_start_2:
0x25: {  	(tag) =	ssettag $0x2  }
0x26: {  	s0 =	rddreg [dreg:$0x0];
	s2 =	stileid.u32  }
0x27: {  	s1 =	rddreg [dreg:$0x1];
	p0 =	sne.s32 s2, $0x0  }
0x28: {  	s3 =	rddreg [dreg:$0x2];
	[bflag:$0x3] =	sbarrier.arrive $0xFFFF;
	s2 =	simm.s32 @!p0 $0x1C02  }
0x29: {  	[timem:s3], [sflag:s2] =	dma.local @!p0 [hbm:s0], s1  }
0x2a: {  	s0 =	simm.s32 @!p0 $0x2  }
0x2b: {  	_ =	swait.ge @!p0 [sflag:s0], s1  }
0x2c: {  	s1 =	ssub.s32 @!p0 $0x0, s1;
	[sflag:s0] =	ssyncset.done @!p0 $0x0  }
0x2d: {  	[sflag:s0] =	ssyncadd.s32 @!p0 s1  }
0x2e: {  	[bflag:$0x3] =	sbarrier.arrive $0xFFFF  }
0x2f: {  	_ =	shalt  }

// kernel: kernel.19.cloned.1.call-start
scs
__scs_entry_jumppad:
0x0: {  	(pc) =	sbr.rel $0x88, $3  }
0x1: {  	(tag) =	ssettag $0x0;
	lr =	simm.s32 $0x1  }
0x2: {  	[smem:$0x3F9F] =	sst lr;
	_ =	strace $0xD0000000  }
0x3: {  	_ = 	snop  }
0x4: {  	_ = 	snop  }
0x5: {  	_ = 	snop  }
0x6: {  	_ = 	snop  }
0x7: {  	_ = 	snop  }
__scs_overlays_trampoline_lowered:
0x8: {  	[smem:$0x3FAE] =	sst s0  }
0x9: {  	[smem:$0x3FAF] =	sst s1  }
0xa: {  	[smem:$0x3FB0] =	sst s2  }
0xb: {  	[smem:$0x3FB1] =	sst s3  }
0xc: {  	[smem:$0x3FB2] =	sst s4  }
0xd: {  	[smem:$0x3FB3] =	sst s5  }
0xe: {  	[smem:$0x3FB4] =	sst s6  }
0xf: {  	[smem:$0x3FB5] =	sst s7  }
0x10: {  	[smem:$0x3FB6] =	sst s8  }
0x11: {  	[smem:$0x3FB7] =	sst s9;
	s0 =	simm.s32 @!p0 $0x0  }
0x12: {  	s1 =	sld [smem:$0x3F9D];
	s0 =	simm.s32 @p0 $0x1  }
0x13: {  	[smem:$0x3FB8] =	sst s0;
	s0 =	simm.s32 @!p1 $0x0  }
0x14: {  	s2 =	sld [smem:$0x3F9C];
	s0 =	simm.s32 @p1 $0x1  }
0x15: {  	[smem:$0x3FB9] =	sst s0;
	s0 =	simm.s32 @!p2 $0x0  }
0x16: {  	s3 =	sld [smem:$0x3FDB];
	s0 =	simm.s32 @p2 $0x1  }
0x17: {  	s4 =	simm.s32 $0x1BF5;
	[smem:$0x3FBB] =	sst s0  }
0x18: {  	s0 =	sld [smem:$0x3F9E];
	_ =	swait.ge [sflag:s4], $0x0  }
0x19: {  	s7 =	sld [smem:$0x3F9F]  }
0x1a: {  	s8 =	sadd.s32 $0xFFFFE003, lr  }
0x1b: {  	s9 =	sadd.s32 $0xFFFFFEF7, lr;
	s5 =	simm.s32 $0xFFFFFFFF;
	p2 =	slt.u32 s8, $0xFFFFF086  }
0x1c: {  	p1 =	slt.u32 s9, $0xF7A;
	s5 =	simm.s32 @!p2 $0x0  }
0x1d: {  	s5 =	simm.s32 @p1 $0x1;
	p0 =	seq.s32 s7, s2  }
0x1e: {  	s7 =	smul.u32 @!p0 $0xF7A, s2;
	p2 =	seq.s32 @!p0 s5, $0x0  }
0x1f: {  	s9 =	smul.u32 $0xF7A, s1;
	s8 =	simm.s32 @!p0 $0x1BF5;
	p2 =	por !p2, p0  }
0x20: {  	[sflag:s8] =	ssyncset.s32 @!p0 $0xFFFFF086;
	s6 =	sadd.s32 @!p0 s3, s7;
	s7 =	simm.s32 @!p0 $0x108  }
0x21: {  	s3 =	sadd.s32 s3, s9;
	s6 =	sadd.s32 @!p0 $0x88, s6;
	s7 =	simm.s32 @p2 $0x1082  }
0x22: {  	[simem:s7], [sflag:s8] =	dma.local @!p0 [hbm:s6], $0xF7A  }
0x23: {  	s9 =	sor.u32 $0xD0000000, s2;
	s6 =	simm.s32 $0x108;
	_ =	swait.ge @!p0 [sflag:s8], $0x0  }
0x24: {  	s3 =	sadd.s32 $0x88, s3;
	s6 =	simm.s32 @!p1 $0x1082;
	[sflag:s4] =	ssyncset.s32 $0xFFFFF086  }
0x25: {  	[simem:s6], [sflag:s4] =	dma.local [hbm:s3], $0xF7A  }
0x26: {  	[smem:$0x3F9F] =	sst s1;
	(tag) =	ssettag s2;
	_ =	strace s9  }
0x27: {  	s1 =	sld [smem:$0x3FAF]  }
0x28: {  	s2 =	sld [smem:$0x3FB0]  }
0x29: {  	s4 =	sld [smem:$0x3FB2]  }
0x2a: {  	p0 =	seq.s32 s5, $0x0;
	s5 =	sld [smem:$0x3FB3]  }
0x2b: {  	s6 =	sld [smem:$0x3FB4]  }
0x2c: {  	s7 =	sld [smem:$0x3FB5]  }
0x2d: {  	s3 =	simm.s32 $0x108;
	s8 =	sld [smem:$0x3FB6]  }
0x2e: {  	s3 =	simm.s32 @!p0 $0x1082;
	s9 =	sld [smem:$0x3FB7]  }
0x2f: {  	lr =	sadd.s32 s0, s3;
	s0 =	sld [smem:$0x3FAE]  }
0x30: {  	s3 =	sld [smem:$0x3FB1]  }
0x31: {  	[smem:$0x3FBA] =	sst s10  }
0x32: {  	s10 =	sld [smem:$0x3FB8];
	_ =	sdelay $0x3  }
0x33: {  	p0 =	seq.s32 s10, $0x1;
	s10 =	sld [smem:$0x3FBA];
	_ =	sdelay $0x3  }
0x34: {  	[smem:$0x3FBA] =	sst s10  }
0x35: {  	s10 =	sld [smem:$0x3FB9];
	_ =	sdelay $0x3  }
0x36: {  	p1 =	seq.s32 s10, $0x1;
	s10 =	sld [smem:$0x3FBA];
	_ =	sdelay $0x3  }
0x37: {  	[smem:$0x3FBA] =	sst s10  }
0x38: {  	s10 =	sld [smem:$0x3FBB]  }
0x39: {  	_ = 	snop;
	(pc) =	sbr.ind lr, $3  }
0x3a: {  	_ = 	snop  }
0x3b: {  	_ = 	snop  }
0x3c: {  	p2 =	seq.s32 s10, $0x1;
	s10 =	sld [smem:$0x3FBA]  }
0x3d: {  	_ =	shalt  }
0x3e: {  	_ =	shalt  }
0x3f: {  	_ =	shalt  }
0x40: {  	_ =	shalt  }
0x41: {  	_ =	shalt  }
0x42: {  	_ =	shalt  }
0x43: {  	_ =	shalt  }
0x44: {  	_ =	shalt  }
0x45: {  	_ =	shalt  }
0x46: {  	_ =	shalt  }
0x47: {  	_ =	shalt  }
0x48: {  	_ =	shalt  }
0x49: {  	_ =	shalt  }
0x4a: {  	_ =	shalt  }
0x4b: {  	_ =	shalt  }
0x4c: {  	_ =	shalt  }
0x4d: {  	_ =	shalt  }
0x4e: {  	_ =	shalt  }
0x4f: {  	_ =	shalt  }
0x50: {  	_ =	shalt  }
0x51: {  	_ =	shalt  }
0x52: {  	_ =	shalt  }
0x53: {  	_ =	shalt  }
0x54: {  	_ =	shalt  }
0x55: {  	_ =	shalt  }
0x56: {  	_ =	shalt  }
0x57: {  	_ =	shalt  }
0x58: {  	_ =	shalt  }
0x59: {  	_ =	shalt  }
0x5a: {  	_ =	shalt  }
0x5b: {  	_ =	shalt  }
0x5c: {  	_ =	shalt  }
0x5d: {  	_ =	shalt  }
0x5e: {  	_ =	shalt  }
0x5f: {  	_ =	shalt  }
0x60: {  	_ =	shalt  }
0x61: {  	_ =	shalt  }
0x62: {  	_ =	shalt  }
0x63: {  	_ =	shalt  }
0x64: {  	_ =	shalt  }
0x65: {  	_ =	shalt  }
0x66: {  	_ =	shalt  }
0x67: {  	_ =	shalt  }
0x68: {  	_ =	shalt  }
0x69: {  	_ =	shalt  }
0x6a: {  	_ =	shalt  }
0x6b: {  	_ =	shalt  }
0x6c: {  	_ =	shalt  }
0x6d: {  	_ =	shalt  }
0x6e: {  	_ =	shalt  }
0x6f: {  	_ =	shalt  }
0x70: {  	_ =	shalt  }
0x71: {  	_ =	shalt  }
0x72: {  	_ =	shalt  }
0x73: {  	_ =	shalt  }
0x74: {  	_ =	shalt  }
0x75: {  	_ =	shalt  }
0x76: {  	_ =	shalt  }
0x77: {  	_ =	shalt  }
0x78: {  	_ =	shalt  }
0x79: {  	_ =	shalt  }
0x7a: {  	_ =	shalt  }
0x7b: {  	_ =	shalt  }
0x7c: {  	_ =	shalt  }
0x7d: {  	_ =	shalt  }
0x7e: {  	_ =	shalt  }
0x7f: {  	_ =	shalt  }
0x80: {  	_ =	shalt  }
0x81: {  	_ =	shalt  }
0x82: {  	_ =	shalt  }
0x83: {  	_ =	shalt  }
0x84: {  	_ =	shalt  }
0x85: {  	_ =	shalt  }
0x86: {  	_ =	shalt  }
0x87: {  	_ =	shalt  }
.Lfunc_end0:
.L_simem_size_0:
called_computation.2_lowered:
.L_overlay_start_0:
0x88: {  	s2 =	sld [smem:$0x3FD9]  }
0x89: {  	s3 =	sld [smem:$0x3FFE];
	_ =	sdelay $0x1  }
0x8a: {  	s1 =	srdreg.scid  }
0x8b: {  	s0 =	sand.u32 $0x1, s1  }
0x8c: {  	s14 =	sshll.u32 s0, $0xA;
	s2 =	sadd.s32 s3, s2  }
0x8d: {  	s2 =	sadd.s32 s2, s14  }
0x8e: {  	[smem:$0x3FC6] =	sst s2  }
0x8f: {  	_ = 	snop  }
0x90: {  	s2 =	sld [smem:$0x3FD0];
	_ =	sdelay $0x2  }
0x91: {  	s15 =	simm.s32 $0xA;
	s4 =	simm.s32 $0x10  }
0x92: {  	[smem:s4], [sflag:s15] =	dma.local [hbm:s2], $0x1  }
0x93: {  	_ =	swait.eq [sflag:s15], $0x1  }
0x94: {  	[sflag:s15] =	ssyncset.done $0x0  }
0x95: {  	[sflag:s15] =	ssyncadd.s32 $0xFFFFFFFF  }
0x96: {  	s16 =	sld [smem:$0x10];
	(tm) =	ssettm $0x1  }
0x97: {  	s17 =	sld [smem:$0x3FFB];
	_ =	sdelay $0x3  }
0x98: {  	_ =	strace s17  }
0x99: {  	s3 =	sld [smem:$0x3FFC];
	_ =	sdelay $0x3  }
0x9a: {  	_ =	strace s3  }
0x9b: {  	s3 =	sld [smem:$0x3FFD];
	_ =	sdelay $0x3  }
0x9c: {  	_ =	strace s3  }
0x9d: {  	_ =	strace $0x8FFFFFFF  }
0x9e: {  	s18 =	sld [smem:$0x3FDB];
	_ =	sdelay $0x1  }
0x9f: {  	s19 =	simm.s32 $_scs_section_size  }
0xa0: {  	s5 =	simm.s32 $_size__tile_overlayer_lowered;
	s6 =	simm.s32 $_tile_overlayer_lowered  }
0xa1: {  	s22 =	simm.s32 $0x1BFF;
	s21 =	sshll.u32 s6, $0x1;
	s3 =	sadd.s32 s19, s18  }
0xa2: {  	s7 =	simm.s32 $0x0;
	s20 =	sshll.u32 s5, $0x1;
	s5 =	sadd.s32 s21, s3  }
0xa3: {  	[timem:s7], [sflag:s22] =	dma.local [hbm:s5], s20  }
0xa4: {  	_ =	swait.ge [sflag:s22], s20  }
0xa5: {  	s4 =	ssub.s32 $0x0, s20;
	[sflag:s22] =	ssyncset.done $0x0  }
0xa6: {  	[sflag:s22] =	ssyncadd.s32 s4;
	_ =	sdelay $0x1  }
0xa7: {  	s23 =	simm.s32 $0x1B8B  }
0xa8: {  	_ =	swait.ge [sflag:s23], $0x1  }
0xa9: {  	[sflag:s23] =	ssyncset.done $0x0  }
0xaa: {  	s25 =	simm.s32 $0x1B8E;
	s24 =	sld [smem:$0x3FFE];
	[sflag:s23] =	ssyncadd.s32 $0xFFFFFFFF  }
0xab: {  	s26 =	simm.s32 $execute0_lowered;
	[smem:$0x3FD2] =	sst s25  }
0xac: {  	s5 =	sshll.u32 s26, $0x1;
	_ =	strace $0x8000004C;
	[dreg:$0x1] =	wrdreg $0xFFFFFFFF  }
0xad: {  	s28 =	simm.s32 $_size_execute0_lowered;
	s3 =	sadd.s32 s3, s5;
	[dreg:$0x0] =	wrdreg $0x0  }
0xae: {  	s5 =	sshll.u32 s28, $0x1;
	[dreg:$0x2] =	wrdreg s3  }
0xaf: {  	[dreg:$0x3] =	wrdreg s5  }
0xb0: {  	[dreg:$0x4] =	wrdreg $0xC0  }
0xb1: {  	_ =	task [dreg:s7], $0x5FFFF  }
0xb2: {  	[dreg:$0x1] =	wrdreg $0xFFFFFFFF  }
0xb3: {  	[dreg:$0x0] =	wrdreg $0x60  }
0xb4: {  	[dreg:$0x2] =	wrdreg s24  }
0xb5: {  	[dreg:$0x3] =	wrdreg s16  }
0xb6: {  	[dreg:$0x4] =	wrdreg $0x9  }
0xb7: {  	_ =	task.clear_ibuf [dreg:s7], $0x5FFFF;
	_ =	strace $0x9000004C  }
0xb8: {  	s29 =	simm.s32 $0x9;
	_ =	strace $0x8000004E  }
0xb9: {  	_ =	swait.ge [sflag:s29], $0x1  }
0xba: {  	[sflag:s29] =	ssyncadd.s32 $0xFFFFFFFF  }
0xbb: {  	_ =	strace $0x9000004E  }
0xbc: {  	_ =	sfence  }
0xbd: {  	s30 =	sld [smem:$0x0];
	_ =	sdelay $0x2  }
0xbe: {  	s31 =	sshll.u32 s1, $0xD;
	s1 =	sshrl.u32 s1, $0x2  }
0xbf: {  	s3 =	sand.u32 $0x4000, s31;
	s1 =	sadd.s32 s1, s30  }
0xc0: {  	s0 =	sor.u32 s3, s0;
	s1 =	sshll.u32 s1, $0x11  }
0xc1: {  	s0 =	sor.u32 s1, s0  }
0xc2: {  	s0 =	sadd.s32 $0x8F2B, s0  }
0xc3: {  	[sflag:s0] =	ssyncadd.remote.s32 $0x1  }
0xc4: {  	_ =	sfence.sel $0xFFFF  }
0xc5: {  	[dreg:$0x0] =	wrdreg $0xFFFFFFFF;
	(pc) =	sbr.abs _section_cstart, $3  }
0xc6: {  	[dreg:$0x1] =	wrdreg $0xFFFFFFFF  }
0xc7: {  	_ =	task.clear_ibuf [dreg:s7], $0x2FFFF;
	_ =	strace $0x9FFFFFFF  }
0xc8: {  	(tm) =	ssettm $0x7FFFFFFF  }
0xc9: {  	_ =	shalt  }
tec
execute0_lowered:
.L_overlay_start_1:
0x0: {  	(tag) =	ssettag $0x1  }
0x1: {  	s1 =	srdreg.scid  }
0x2: {  	s0 =	stileid.u32;
	s6 =	sand.u32 $0x1, s1  }
0x3: {  	s5 =	rddreg [dreg:$0x0];
	s30 =	sshll.u32 s0, $0x5;
	s2 =	sshll.u32 s6, $0x4  }
0x4: {  	s9 =	rddreg [dreg:$0x1];
	s7 =	simm.s32 $0x80;
	s10 =	sor.u32 s2, s30  }
0x5: {  	s1 =	rddreg [dreg:$0x2];
	s2 =	simm.s32 $0x0;
	s3 =	sshrl.u32 s10, $0x3  }
0x6: {  	s11 =	ssub.s32 $0x2, s6;
	[smem:$0x7FF] =	sst s2;
	s3 =	sadd.s32 s3, s5  }
0x7: {  	_ =	strace $0x8000004D;
	s4 =	sadd.s32 $0xE8600, s3;
	s3 =	simm.s32 $0x2  }
0x8: {  	[tilespmem:s2], [sflag:$0x2] =	stream.linear.gather [hbm4b:s4+s2], $0x10, $0x38;
	[tilespmem:$0x880] =	vst v63  }
0x9: {  	s8 =	simm.s32 $0x1;
	s12 =	sshrl.u32 s11, $0x1;
	_ =	swait.ge [sflag:s3], $0x10  }
0xa: {  	s6 =	simm.s32 $0x10;
	s11 =	ssub.s32 s11, s12;
	[sflag:s3] =	ssyncset.done $0x0  }
0xb: {  	s5 =	sadd.s32 $0x48000, s5;
	s31 =	smax.u32 s11, $0x1;
	[sflag:s3] =	ssyncadd.s32 $0xFFFFFFF0  }
0xc: {  	[tilespmem:s7], [sflag:$0x1] =	stream.indirect.gather [hbm4b:s5+s6], $0x80, s2, s6, $0xb8;
	[tilespmem:$0x880] =	vst v63  }
0xd: {  	p0 =	sne.s32 s31, $0x1;
	_ =	swait.ge [sflag:s8], $0x800  }
.Ltmp0:
0xe: {  	s10 =	sshll.u32 s10, $0x4;
	[sflag:s8] =	ssyncset.done $0x0;
	(pc) =	sbr.rel @!p0 .LBB2_2-.Ltmp0, $4  }
0xf: {  	s9 =	sadd.s32 s9, s10;
	[sflag:s8] =	ssyncadd.s32 $0xFFFFF800  }
0x10: {  	[hbm4b:s9+s2] =	stream.linear.scatter [tilespmem:s7], [sflag:$0x2], $0x800, $0x38;
	[tilespmem:$0x880] =	vst v63  }
0x11: {  	_ =	swait.ge [sflag:s3], $0x800  }
0x12: {  	s10 =	sadd.s32 $0xFFFFFFFF, s31;
	[sflag:s3] =	ssyncset.done $0x0  }
.LBB2_1:
0x13: {  	p0 =	sne.s32 s10, $0x1;
	s10 =	sadd.s32 $0xFFFFFFFF, s10;
	[sflag:s3] =	ssyncadd.s32 $0xFFFFF800  }
0x14: {  	[tilespmem:s2], [sflag:$0x2] =	stream.linear.gather [hbm4b:s4+s2], $0x10, $0x38;
	[tilespmem:$0x880] =	vst v63  }
0x15: {  	_ =	swait.ge [sflag:s3], $0x10  }
0x16: {  	[sflag:s3] =	ssyncset.done $0x0  }
0x17: {  	[sflag:s3] =	ssyncadd.s32 $0xFFFFFFF0  }
0x18: {  	[tilespmem:s7], [sflag:$0x1] =	stream.indirect.gather [hbm4b:s5+s6], $0x80, s2, s6, $0xb8;
	[tilespmem:$0x880] =	vst v63  }
0x19: {  	_ =	swait.ge [sflag:s8], $0x800  }
.Ltmp1:
0x1a: {  	[sflag:s8] =	ssyncset.done $0x0;
	(pc) =	sbr.rel @p0 .LBB2_1-.Ltmp1, $4  }
0x1b: {  	[sflag:s8] =	ssyncadd.s32 $0xFFFFF800  }
0x1c: {  	[hbm4b:s9+s2] =	stream.linear.scatter [tilespmem:s7], [sflag:$0x2], $0x800, $0x38;
	[tilespmem:$0x880] =	vst v63  }
0x1d: {  	_ =	swait.ge [sflag:s3], $0x800  }
0x1e: {  	[sflag:s3] =	ssyncset.done $0x0  }
.LBB2_2:
0x1f: {  	[sflag:s3] =	ssyncadd.s32 $0xFFFFF800  }
0x20: {  	_ =	sfence.sel $0x180000  }
0x21: {  	[bflag:$0x0] =	sbarrier.arrive $0xFFFF  }
0x22: {  	p0 =	sne.s32 s0, $0x0;
	_ =	strace $0x9000004D  }
0x23: {  	s0 =	sadd.s32 @!p0 $0x100000, s1;
	[bflag:$0x2] =	sbarrier.arrive $0xFFFF  }
0x24: {  	[sflag:s0] =	ssyncadd.tile.s32 @!p0 $0x1;
	_ =	shalt  }
.Lfunc_end2:
_tile_overlayer_lowered:
.L_overlay_start_2:
0x25: {  	(tag) =	ssettag $0x2  }
0x26: {  	s0 =	rddreg [dreg:$0x0];
	s2 =	stileid.u32  }
0x27: {  	s1 =	rddreg [dreg:$0x1];
	p0 =	sne.s32 s2, $0x0  }
0x28: {  	s3 =	rddreg [dreg:$0x2];
	[bflag:$0x3] =	sbarrier.arrive $0xFFFF;
	s2 =	simm.s32 @!p0 $0x1C02  }
0x29: {  	[timem:s3], [sflag:s2] =	dma.local @!p0 [hbm:s0], s1  }
0x2a: {  	s0 =	simm.s32 @!p0 $0x2  }
0x2b: {  	_ =	swait.ge @!p0 [sflag:s0], s1  }
0x2c: {  	s1 =	ssub.s32 @!p0 $0x0, s1;
	[sflag:s0] =	ssyncset.done @!p0 $0x0  }
0x2d: {  	[sflag:s0] =	ssyncadd.s32 @!p0 s1  }
0x2e: {  	[bflag:$0x3] =	sbarrier.arrive $0xFFFF  }
0x2f: {  	_ =	shalt  }

// kernel: kernel.22.cloned.1.call-start
scs
__scs_entry_jumppad:
0x0: {  	(pc) =	sbr.rel $0x88, $3  }
0x1: {  	(tag) =	ssettag $0x0;
	lr =	simm.s32 $0x1  }
0x2: {  	[smem:$0x3F9F] =	sst lr;
	_ =	strace $0xD0000000  }
0x3: {  	_ = 	snop  }
0x4: {  	_ = 	snop  }
0x5: {  	_ = 	snop  }
0x6: {  	_ = 	snop  }
0x7: {  	_ = 	snop  }
__scs_overlays_trampoline_lowered:
0x8: {  	[smem:$0x3FAE] =	sst s0  }
0x9: {  	[smem:$0x3FAF] =	sst s1  }
0xa: {  	[smem:$0x3FB0] =	sst s2  }
0xb: {  	[smem:$0x3FB1] =	sst s3  }
0xc: {  	[smem:$0x3FB2] =	sst s4  }
0xd: {  	[smem:$0x3FB3] =	sst s5  }
0xe: {  	[smem:$0x3FB4] =	sst s6  }
0xf: {  	[smem:$0x3FB5] =	sst s7  }
0x10: {  	[smem:$0x3FB6] =	sst s8  }
0x11: {  	[smem:$0x3FB7] =	sst s9;
	s0 =	simm.s32 @!p0 $0x0  }
0x12: {  	s1 =	sld [smem:$0x3F9D];
	s0 =	simm.s32 @p0 $0x1  }
0x13: {  	[smem:$0x3FB8] =	sst s0;
	s0 =	simm.s32 @!p1 $0x0  }
0x14: {  	s2 =	sld [smem:$0x3F9C];
	s0 =	simm.s32 @p1 $0x1  }
0x15: {  	[smem:$0x3FB9] =	sst s0;
	s0 =	simm.s32 @!p2 $0x0  }
0x16: {  	s3 =	sld [smem:$0x3FDB];
	s0 =	simm.s32 @p2 $0x1  }
0x17: {  	s4 =	simm.s32 $0x1BF5;
	[smem:$0x3FBB] =	sst s0  }
0x18: {  	s0 =	sld [smem:$0x3F9E];
	_ =	swait.ge [sflag:s4], $0x0  }
0x19: {  	s7 =	sld [smem:$0x3F9F]  }
0x1a: {  	s8 =	sadd.s32 $0xFFFFE003, lr  }
0x1b: {  	s9 =	sadd.s32 $0xFFFFFEF7, lr;
	s5 =	simm.s32 $0xFFFFFFFF;
	p2 =	slt.u32 s8, $0xFFFFF086  }
0x1c: {  	p1 =	slt.u32 s9, $0xF7A;
	s5 =	simm.s32 @!p2 $0x0  }
0x1d: {  	s5 =	simm.s32 @p1 $0x1;
	p0 =	seq.s32 s7, s2  }
0x1e: {  	s7 =	smul.u32 @!p0 $0xF7A, s2;
	p2 =	seq.s32 @!p0 s5, $0x0  }
0x1f: {  	s9 =	smul.u32 $0xF7A, s1;
	s8 =	simm.s32 @!p0 $0x1BF5;
	p2 =	por !p2, p0  }
0x20: {  	[sflag:s8] =	ssyncset.s32 @!p0 $0xFFFFF086;
	s6 =	sadd.s32 @!p0 s3, s7;
	s7 =	simm.s32 @!p0 $0x108  }
0x21: {  	s3 =	sadd.s32 s3, s9;
	s6 =	sadd.s32 @!p0 $0x88, s6;
	s7 =	simm.s32 @p2 $0x1082  }
0x22: {  	[simem:s7], [sflag:s8] =	dma.local @!p0 [hbm:s6], $0xF7A  }
0x23: {  	s9 =	sor.u32 $0xD0000000, s2;
	s6 =	simm.s32 $0x108;
	_ =	swait.ge @!p0 [sflag:s8], $0x0  }
0x24: {  	s3 =	sadd.s32 $0x88, s3;
	s6 =	simm.s32 @!p1 $0x1082;
	[sflag:s4] =	ssyncset.s32 $0xFFFFF086  }
0x25: {  	[simem:s6], [sflag:s4] =	dma.local [hbm:s3], $0xF7A  }
0x26: {  	[smem:$0x3F9F] =	sst s1;
	(tag) =	ssettag s2;
	_ =	strace s9  }
0x27: {  	s1 =	sld [smem:$0x3FAF]  }
0x28: {  	s2 =	sld [smem:$0x3FB0]  }
0x29: {  	s4 =	sld [smem:$0x3FB2]  }
0x2a: {  	p0 =	seq.s32 s5, $0x0;
	s5 =	sld [smem:$0x3FB3]  }
0x2b: {  	s6 =	sld [smem:$0x3FB4]  }
0x2c: {  	s7 =	sld [smem:$0x3FB5]  }
0x2d: {  	s3 =	simm.s32 $0x108;
	s8 =	sld [smem:$0x3FB6]  }
0x2e: {  	s3 =	simm.s32 @!p0 $0x1082;
	s9 =	sld [smem:$0x3FB7]  }
0x2f: {  	lr =	sadd.s32 s0, s3;
	s0 =	sld [smem:$0x3FAE]  }
0x30: {  	s3 =	sld [smem:$0x3FB1]  }
0x31: {  	[smem:$0x3FBA] =	sst s10  }
0x32: {  	s10 =	sld [smem:$0x3FB8];
	_ =	sdelay $0x3  }
0x33: {  	p0 =	seq.s32 s10, $0x1;
	s10 =	sld [smem:$0x3FBA];
	_ =	sdelay $0x3  }
0x34: {  	[smem:$0x3FBA] =	sst s10  }
0x35: {  	s10 =	sld [smem:$0x3FB9];
	_ =	sdelay $0x3  }
0x36: {  	p1 =	seq.s32 s10, $0x1;
	s10 =	sld [smem:$0x3FBA];
	_ =	sdelay $0x3  }
0x37: {  	[smem:$0x3FBA] =	sst s10  }
0x38: {  	s10 =	sld [smem:$0x3FBB]  }
0x39: {  	_ = 	snop;
	(pc) =	sbr.ind lr, $3  }
0x3a: {  	_ = 	snop  }
0x3b: {  	_ = 	snop  }
0x3c: {  	p2 =	seq.s32 s10, $0x1;
	s10 =	sld [smem:$0x3FBA]  }
0x3d: {  	_ =	shalt  }
0x3e: {  	_ =	shalt  }
0x3f: {  	_ =	shalt  }
0x40: {  	_ =	shalt  }
0x41: {  	_ =	shalt  }
0x42: {  	_ =	shalt  }
0x43: {  	_ =	shalt  }
0x44: {  	_ =	shalt  }
0x45: {  	_ =	shalt  }
0x46: {  	_ =	shalt  }
0x47: {  	_ =	shalt  }
0x48: {  	_ =	shalt  }
0x49: {  	_ =	shalt  }
0x4a: {  	_ =	shalt  }
0x4b: {  	_ =	shalt  }
0x4c: {  	_ =	shalt  }
0x4d: {  	_ =	shalt  }
0x4e: {  	_ =	shalt  }
0x4f: {  	_ =	shalt  }
0x50: {  	_ =	shalt  }
0x51: {  	_ =	shalt  }
0x52: {  	_ =	shalt  }
0x53: {  	_ =	shalt  }
0x54: {  	_ =	shalt  }
0x55: {  	_ =	shalt  }
0x56: {  	_ =	shalt  }
0x57: {  	_ =	shalt  }
0x58: {  	_ =	shalt  }
0x59: {  	_ =	shalt  }
0x5a: {  	_ =	shalt  }
0x5b: {  	_ =	shalt  }
0x5c: {  	_ =	shalt  }
0x5d: {  	_ =	shalt  }
0x5e: {  	_ =	shalt  }
0x5f: {  	_ =	shalt  }
0x60: {  	_ =	shalt  }
0x61: {  	_ =	shalt  }
0x62: {  	_ =	shalt  }
0x63: {  	_ =	shalt  }
0x64: {  	_ =	shalt  }
0x65: {  	_ =	shalt  }
0x66: {  	_ =	shalt  }
0x67: {  	_ =	shalt  }
0x68: {  	_ =	shalt  }
0x69: {  	_ =	shalt  }
0x6a: {  	_ =	shalt  }
0x6b: {  	_ =	shalt  }
0x6c: {  	_ =	shalt  }
0x6d: {  	_ =	shalt  }
0x6e: {  	_ =	shalt  }
0x6f: {  	_ =	shalt  }
0x70: {  	_ =	shalt  }
0x71: {  	_ =	shalt  }
0x72: {  	_ =	shalt  }
0x73: {  	_ =	shalt  }
0x74: {  	_ =	shalt  }
0x75: {  	_ =	shalt  }
0x76: {  	_ =	shalt  }
0x77: {  	_ =	shalt  }
0x78: {  	_ =	shalt  }
0x79: {  	_ =	shalt  }
0x7a: {  	_ =	shalt  }
0x7b: {  	_ =	shalt  }
0x7c: {  	_ =	shalt  }
0x7d: {  	_ =	shalt  }
0x7e: {  	_ =	shalt  }
0x7f: {  	_ =	shalt  }
0x80: {  	_ =	shalt  }
0x81: {  	_ =	shalt  }
0x82: {  	_ =	shalt  }
0x83: {  	_ =	shalt  }
0x84: {  	_ =	shalt  }
0x85: {  	_ =	shalt  }
0x86: {  	_ =	shalt  }
0x87: {  	_ =	shalt  }
.Lfunc_end0:
.L_simem_size_0:
called_computation.3_lowered:
.L_overlay_start_0:
0x88: {  	s2 =	sld [smem:$0x3FD9]  }
0x89: {  	s3 =	sld [smem:$0x3FFE];
	_ =	sdelay $0x1  }
0x8a: {  	s1 =	srdreg.scid  }
0x8b: {  	s0 =	sand.u32 $0x1, s1  }
0x8c: {  	s14 =	sshll.u32 s0, $0xA;
	s2 =	sadd.s32 s3, s2  }
0x8d: {  	s2 =	sadd.s32 s2, s14  }
0x8e: {  	[smem:$0x3FC6] =	sst s2  }
0x8f: {  	_ = 	snop  }
0x90: {  	s2 =	sld [smem:$0x3FD0];
	_ =	sdelay $0x2  }
0x91: {  	s15 =	simm.s32 $0xA;
	s4 =	simm.s32 $0x10  }
0x92: {  	[smem:s4], [sflag:s15] =	dma.local [hbm:s2], $0x1  }
0x93: {  	_ =	swait.eq [sflag:s15], $0x1  }
0x94: {  	[sflag:s15] =	ssyncset.done $0x0  }
0x95: {  	[sflag:s15] =	ssyncadd.s32 $0xFFFFFFFF  }
0x96: {  	s16 =	sld [smem:$0x10];
	(tm) =	ssettm $0x1  }
0x97: {  	s17 =	sld [smem:$0x3FFB];
	_ =	sdelay $0x3  }
0x98: {  	_ =	strace s17  }
0x99: {  	s3 =	sld [smem:$0x3FFC];
	_ =	sdelay $0x3  }
0x9a: {  	_ =	strace s3  }
0x9b: {  	s3 =	sld [smem:$0x3FFD];
	_ =	sdelay $0x3  }
0x9c: {  	_ =	strace s3  }
0x9d: {  	_ =	strace $0x8FFFFFFF  }
0x9e: {  	s18 =	sld [smem:$0x3FDB];
	_ =	sdelay $0x1  }
0x9f: {  	s19 =	simm.s32 $_scs_section_size  }
0xa0: {  	s5 =	simm.s32 $_size__tile_overlayer_lowered;
	s6 =	simm.s32 $_tile_overlayer_lowered  }
0xa1: {  	s22 =	simm.s32 $0x1BFF;
	s21 =	sshll.u32 s6, $0x1;
	s3 =	sadd.s32 s19, s18  }
0xa2: {  	s7 =	simm.s32 $0x0;
	s20 =	sshll.u32 s5, $0x1;
	s5 =	sadd.s32 s21, s3  }
0xa3: {  	[timem:s7], [sflag:s22] =	dma.local [hbm:s5], s20  }
0xa4: {  	_ =	swait.ge [sflag:s22], s20  }
0xa5: {  	s4 =	ssub.s32 $0x0, s20;
	[sflag:s22] =	ssyncset.done $0x0  }
0xa6: {  	[sflag:s22] =	ssyncadd.s32 s4;
	_ =	sdelay $0x1  }
0xa7: {  	s23 =	simm.s32 $0x1B8B  }
0xa8: {  	_ =	swait.ge [sflag:s23], $0x1  }
0xa9: {  	[sflag:s23] =	ssyncset.done $0x0  }
0xaa: {  	s25 =	simm.s32 $0x1B8E;
	s24 =	sld [smem:$0x3FFE];
	[sflag:s23] =	ssyncadd.s32 $0xFFFFFFFF  }
0xab: {  	s26 =	simm.s32 $execute0_lowered;
	[smem:$0x3FD2] =	sst s25  }
0xac: {  	s5 =	sshll.u32 s26, $0x1;
	_ =	strace $0x8000004F;
	[dreg:$0x1] =	wrdreg $0xFFFFFFFF  }
0xad: {  	s28 =	simm.s32 $_size_execute0_lowered;
	s3 =	sadd.s32 s3, s5;
	[dreg:$0x0] =	wrdreg $0x0  }
0xae: {  	s5 =	sshll.u32 s28, $0x1;
	[dreg:$0x2] =	wrdreg s3  }
0xaf: {  	[dreg:$0x3] =	wrdreg s5  }
0xb0: {  	[dreg:$0x4] =	wrdreg $0xC0  }
0xb1: {  	_ =	task [dreg:s7], $0x5FFFF  }
0xb2: {  	[dreg:$0x1] =	wrdreg $0xFFFFFFFF  }
0xb3: {  	[dreg:$0x0] =	wrdreg $0x60  }
0xb4: {  	[dreg:$0x2] =	wrdreg s24  }
0xb5: {  	[dreg:$0x3] =	wrdreg s16  }
0xb6: {  	[dreg:$0x4] =	wrdreg $0x9  }
0xb7: {  	_ =	task.clear_ibuf [dreg:s7], $0x5FFFF;
	_ =	strace $0x9000004F  }
0xb8: {  	s29 =	simm.s32 $0x9;
	_ =	strace $0x80000051  }
0xb9: {  	_ =	swait.ge [sflag:s29], $0x1  }
0xba: {  	[sflag:s29] =	ssyncadd.s32 $0xFFFFFFFF  }
0xbb: {  	_ =	strace $0x90000051  }
0xbc: {  	_ =	sfence  }
0xbd: {  	s30 =	sld [smem:$0x0];
	_ =	sdelay $0x2  }
0xbe: {  	s31 =	sshll.u32 s1, $0xD;
	s1 =	sshrl.u32 s1, $0x2  }
0xbf: {  	s3 =	sand.u32 $0x4000, s31;
	s1 =	sadd.s32 s1, s30  }
0xc0: {  	s0 =	sor.u32 s3, s0;
	s1 =	sshll.u32 s1, $0x11  }
0xc1: {  	s0 =	sor.u32 s1, s0  }
0xc2: {  	s0 =	sadd.s32 $0x8F2B, s0  }
0xc3: {  	[sflag:s0] =	ssyncadd.remote.s32 $0x1  }
0xc4: {  	_ =	sfence.sel $0xFFFF  }
0xc5: {  	[dreg:$0x0] =	wrdreg $0xFFFFFFFF;
	(pc) =	sbr.abs _section_cstart, $3  }
0xc6: {  	[dreg:$0x1] =	wrdreg $0xFFFFFFFF  }
0xc7: {  	_ =	task.clear_ibuf [dreg:s7], $0x2FFFF;
	_ =	strace $0x9FFFFFFF  }
0xc8: {  	(tm) =	ssettm $0x7FFFFFFF  }
0xc9: {  	_ =	shalt  }
tec
execute0_lowered:
.L_overlay_start_1:
0x0: {  	(tag) =	ssettag $0x1  }
0x1: {  	s1 =	srdreg.scid  }
0x2: {  	s0 =	stileid.u32;
	s6 =	sand.u32 $0x1, s1  }
0x3: {  	s5 =	rddreg [dreg:$0x0];
	s30 =	sshll.u32 s0, $0x7;
	s2 =	sshll.u32 s6, $0x6  }
0x4: {  	s9 =	rddreg [dreg:$0x1];
	s7 =	simm.s32 $0x80;
	s10 =	sor.u32 s2, s30  }
0x5: {  	s1 =	rddreg [dreg:$0x2];
	s2 =	simm.s32 $0x0;
	s3 =	sshrl.u32 s10, $0x3  }
0x6: {  	s11 =	ssub.s32 $0x2, s6;
	[smem:$0x7FF] =	sst s2;
	s3 =	sadd.s32 s3, s5  }
0x7: {  	_ =	strace $0x80000050;
	s4 =	sadd.s32 $0x58600, s3;
	s3 =	simm.s32 $0x2  }
0x8: {  	[tilespmem:s2], [sflag:$0x2] =	stream.linear.gather [hbm4b:s4+s2], $0x40, $0x38;
	[tilespmem:$0x2080] =	vst v63  }
0x9: {  	s8 =	simm.s32 $0x1;
	s12 =	sshrl.u32 s11, $0x1;
	_ =	swait.ge [sflag:s3], $0x40  }
0xa: {  	s6 =	simm.s32 $0x40;
	s11 =	ssub.s32 s11, s12;
	[sflag:s3] =	ssyncset.done $0x0  }
0xb: {  	s5 =	sadd.s32 $0x48000, s5;
	s31 =	smax.u32 s11, $0x1;
	[sflag:s3] =	ssyncadd.s32 $0xFFFFFFC0  }
0xc: {  	[tilespmem:s7], [sflag:$0x1] =	stream.indirect.gather [hbm4b:s5+s6], $0x80, s2, s6, $0xb8;
	[tilespmem:$0x2080] =	vst v63  }
0xd: {  	p0 =	sne.s32 s31, $0x1;
	_ =	swait.ge [sflag:s8], $0x2000  }
.Ltmp0:
0xe: {  	s10 =	sshll.u32 s10, $0x4;
	[sflag:s8] =	ssyncset.done $0x0;
	(pc) =	sbr.rel @!p0 .LBB2_2-.Ltmp0, $4  }
0xf: {  	s9 =	sadd.s32 s9, s10;
	[sflag:s8] =	ssyncadd.s32 $0xFFFFE000  }
0x10: {  	[hbm4b:s9+s2] =	stream.linear.scatter [tilespmem:s7], [sflag:$0x2], $0x2000, $0x38;
	[tilespmem:$0x2080] =	vst v63  }
0x11: {  	_ =	swait.ge [sflag:s3], $0x2000  }
0x12: {  	s10 =	sadd.s32 $0xFFFFFFFF, s31;
	[sflag:s3] =	ssyncset.done $0x0  }
.LBB2_1:
0x13: {  	p0 =	sne.s32 s10, $0x1;
	s10 =	sadd.s32 $0xFFFFFFFF, s10;
	[sflag:s3] =	ssyncadd.s32 $0xFFFFE000  }
0x14: {  	[tilespmem:s2], [sflag:$0x2] =	stream.linear.gather [hbm4b:s4+s2], $0x40, $0x38;
	[tilespmem:$0x2080] =	vst v63  }
0x15: {  	_ =	swait.ge [sflag:s3], $0x40  }
0x16: {  	[sflag:s3] =	ssyncset.done $0x0  }
0x17: {  	[sflag:s3] =	ssyncadd.s32 $0xFFFFFFC0  }
0x18: {  	[tilespmem:s7], [sflag:$0x1] =	stream.indirect.gather [hbm4b:s5+s6], $0x80, s2, s6, $0xb8;
	[tilespmem:$0x2080] =	vst v63  }
0x19: {  	_ =	swait.ge [sflag:s8], $0x2000  }
.Ltmp1:
0x1a: {  	[sflag:s8] =	ssyncset.done $0x0;
	(pc) =	sbr.rel @p0 .LBB2_1-.Ltmp1, $4  }
0x1b: {  	[sflag:s8] =	ssyncadd.s32 $0xFFFFE000  }
0x1c: {  	[hbm4b:s9+s2] =	stream.linear.scatter [tilespmem:s7], [sflag:$0x2], $0x2000, $0x38;
	[tilespmem:$0x2080] =	vst v63  }
0x1d: {  	_ =	swait.ge [sflag:s3], $0x2000  }
0x1e: {  	[sflag:s3] =	ssyncset.done $0x0  }
.LBB2_2:
0x1f: {  	[sflag:s3] =	ssyncadd.s32 $0xFFFFE000  }
0x20: {  	_ =	sfence.sel $0x180000  }
0x21: {  	[bflag:$0x0] =	sbarrier.arrive $0xFFFF  }
0x22: {  	p0 =	sne.s32 s0, $0x0;
	_ =	strace $0x90000050  }
0x23: {  	s0 =	sadd.s32 @!p0 $0x100000, s1;
	[bflag:$0x2] =	sbarrier.arrive $0xFFFF  }
0x24: {  	[sflag:s0] =	ssyncadd.tile.s32 @!p0 $0x1;
	_ =	shalt  }
.Lfunc_end2:
_tile_overlayer_lowered:
.L_overlay_start_2:
0x25: {  	(tag) =	ssettag $0x2  }
0x26: {  	s0 =	rddreg [dreg:$0x0];
	s2 =	stileid.u32  }
0x27: {  	s1 =	rddreg [dreg:$0x1];
	p0 =	sne.s32 s2, $0x0  }
0x28: {  	s3 =	rddreg [dreg:$0x2];
	[bflag:$0x3] =	sbarrier.arrive $0xFFFF;
	s2 =	simm.s32 @!p0 $0x1C02  }
0x29: {  	[timem:s3], [sflag:s2] =	dma.local @!p0 [hbm:s0], s1  }
0x2a: {  	s0 =	simm.s32 @!p0 $0x2  }
0x2b: {  	_ =	swait.ge @!p0 [sflag:s0], s1  }
0x2c: {  	s1 =	ssub.s32 @!p0 $0x0, s1;
	[sflag:s0] =	ssyncset.done @!p0 $0x0  }
0x2d: {  	[sflag:s0] =	ssyncadd.s32 @!p0 s1  }
0x2e: {  	[bflag:$0x3] =	sbarrier.arrive $0xFFFF  }
0x2f: {  	_ =	shalt  }

// kernel: kernel.25.cloned.1.call-start
scs
__scs_entry_jumppad:
0x0: {  	(pc) =	sbr.rel $0x88, $3  }
0x1: {  	(tag) =	ssettag $0x0;
	lr =	simm.s32 $0x1  }
0x2: {  	[smem:$0x3F9F] =	sst lr;
	_ =	strace $0xD0000000  }
0x3: {  	_ = 	snop  }
0x4: {  	_ = 	snop  }
0x5: {  	_ = 	snop  }
0x6: {  	_ = 	snop  }
0x7: {  	_ = 	snop  }
__scs_overlays_trampoline_lowered:
0x8: {  	[smem:$0x3FAE] =	sst s0  }
0x9: {  	[smem:$0x3FAF] =	sst s1  }
0xa: {  	[smem:$0x3FB0] =	sst s2  }
0xb: {  	[smem:$0x3FB1] =	sst s3  }
0xc: {  	[smem:$0x3FB2] =	sst s4  }
0xd: {  	[smem:$0x3FB3] =	sst s5  }
0xe: {  	[smem:$0x3FB4] =	sst s6  }
0xf: {  	[smem:$0x3FB5] =	sst s7  }
0x10: {  	[smem:$0x3FB6] =	sst s8  }
0x11: {  	[smem:$0x3FB7] =	sst s9;
	s0 =	simm.s32 @!p0 $0x0  }
0x12: {  	s1 =	sld [smem:$0x3F9D];
	s0 =	simm.s32 @p0 $0x1  }
0x13: {  	[smem:$0x3FB8] =	sst s0;
	s0 =	simm.s32 @!p1 $0x0  }
0x14: {  	s2 =	sld [smem:$0x3F9C];
	s0 =	simm.s32 @p1 $0x1  }
0x15: {  	[smem:$0x3FB9] =	sst s0;
	s0 =	simm.s32 @!p2 $0x0  }
0x16: {  	s3 =	sld [smem:$0x3FDB];
	s0 =	simm.s32 @p2 $0x1  }
0x17: {  	s4 =	simm.s32 $0x1BF5;
	[smem:$0x3FBB] =	sst s0  }
0x18: {  	s0 =	sld [smem:$0x3F9E];
	_ =	swait.ge [sflag:s4], $0x0  }
0x19: {  	s7 =	sld [smem:$0x3F9F]  }
0x1a: {  	s8 =	sadd.s32 $0xFFFFE003, lr  }
0x1b: {  	s9 =	sadd.s32 $0xFFFFFEF7, lr;
	s5 =	simm.s32 $0xFFFFFFFF;
	p2 =	slt.u32 s8, $0xFFFFF086  }
0x1c: {  	p1 =	slt.u32 s9, $0xF7A;
	s5 =	simm.s32 @!p2 $0x0  }
0x1d: {  	s5 =	simm.s32 @p1 $0x1;
	p0 =	seq.s32 s7, s2  }
0x1e: {  	s7 =	smul.u32 @!p0 $0xF7A, s2;
	p2 =	seq.s32 @!p0 s5, $0x0  }
0x1f: {  	s9 =	smul.u32 $0xF7A, s1;
	s8 =	simm.s32 @!p0 $0x1BF5;
	p2 =	por !p2, p0  }
0x20: {  	[sflag:s8] =	ssyncset.s32 @!p0 $0xFFFFF086;
	s6 =	sadd.s32 @!p0 s3, s7;
	s7 =	simm.s32 @!p0 $0x108  }
0x21: {  	s3 =	sadd.s32 s3, s9;
	s6 =	sadd.s32 @!p0 $0x88, s6;
	s7 =	simm.s32 @p2 $0x1082  }
0x22: {  	[simem:s7], [sflag:s8] =	dma.local @!p0 [hbm:s6], $0xF7A  }
0x23: {  	s9 =	sor.u32 $0xD0000000, s2;
	s6 =	simm.s32 $0x108;
	_ =	swait.ge @!p0 [sflag:s8], $0x0  }
0x24: {  	s3 =	sadd.s32 $0x88, s3;
	s6 =	simm.s32 @!p1 $0x1082;
	[sflag:s4] =	ssyncset.s32 $0xFFFFF086  }
0x25: {  	[simem:s6], [sflag:s4] =	dma.local [hbm:s3], $0xF7A  }
0x26: {  	[smem:$0x3F9F] =	sst s1;
	(tag) =	ssettag s2;
	_ =	strace s9  }
0x27: {  	s1 =	sld [smem:$0x3FAF]  }
0x28: {  	s2 =	sld [smem:$0x3FB0]  }
0x29: {  	s4 =	sld [smem:$0x3FB2]  }
0x2a: {  	p0 =	seq.s32 s5, $0x0;
	s5 =	sld [smem:$0x3FB3]  }
0x2b: {  	s6 =	sld [smem:$0x3FB4]  }
0x2c: {  	s7 =	sld [smem:$0x3FB5]  }
0x2d: {  	s3 =	simm.s32 $0x108;
	s8 =	sld [smem:$0x3FB6]  }
0x2e: {  	s3 =	simm.s32 @!p0 $0x1082;
	s9 =	sld [smem:$0x3FB7]  }
0x2f: {  	lr =	sadd.s32 s0, s3;
	s0 =	sld [smem:$0x3FAE]  }
0x30: {  	s3 =	sld [smem:$0x3FB1]  }
0x31: {  	[smem:$0x3FBA] =	sst s10  }
0x32: {  	s10 =	sld [smem:$0x3FB8];
	_ =	sdelay $0x3  }
0x33: {  	p0 =	seq.s32 s10, $0x1;
	s10 =	sld [smem:$0x3FBA];
	_ =	sdelay $0x3  }
0x34: {  	[smem:$0x3FBA] =	sst s10  }
0x35: {  	s10 =	sld [smem:$0x3FB9];
	_ =	sdelay $0x3  }
0x36: {  	p1 =	seq.s32 s10, $0x1;
	s10 =	sld [smem:$0x3FBA];
	_ =	sdelay $0x3  }
0x37: {  	[smem:$0x3FBA] =	sst s10  }
0x38: {  	s10 =	sld [smem:$0x3FBB]  }
0x39: {  	_ = 	snop;
	(pc) =	sbr.ind lr, $3  }
0x3a: {  	_ = 	snop  }
0x3b: {  	_ = 	snop  }
0x3c: {  	p2 =	seq.s32 s10, $0x1;
	s10 =	sld [smem:$0x3FBA]  }
0x3d: {  	_ =	shalt  }
0x3e: {  	_ =	shalt  }
0x3f: {  	_ =	shalt  }
0x40: {  	_ =	shalt  }
0x41: {  	_ =	shalt  }
0x42: {  	_ =	shalt  }
0x43: {  	_ =	shalt  }
0x44: {  	_ =	shalt  }
0x45: {  	_ =	shalt  }
0x46: {  	_ =	shalt  }
0x47: {  	_ =	shalt  }
0x48: {  	_ =	shalt  }
0x49: {  	_ =	shalt  }
0x4a: {  	_ =	shalt  }
0x4b: {  	_ =	shalt  }
0x4c: {  	_ =	shalt  }
0x4d: {  	_ =	shalt  }
0x4e: {  	_ =	shalt  }
0x4f: {  	_ =	shalt  }
0x50: {  	_ =	shalt  }
0x51: {  	_ =	shalt  }
0x52: {  	_ =	shalt  }
0x53: {  	_ =	shalt  }
0x54: {  	_ =	shalt  }
0x55: {  	_ =	shalt  }
0x56: {  	_ =	shalt  }
0x57: {  	_ =	shalt  }
0x58: {  	_ =	shalt  }
0x59: {  	_ =	shalt  }
0x5a: {  	_ =	shalt  }
0x5b: {  	_ =	shalt  }
0x5c: {  	_ =	shalt  }
0x5d: {  	_ =	shalt  }
0x5e: {  	_ =	shalt  }
0x5f: {  	_ =	shalt  }
0x60: {  	_ =	shalt  }
0x61: {  	_ =	shalt  }
0x62: {  	_ =	shalt  }
0x63: {  	_ =	shalt  }
0x64: {  	_ =	shalt  }
0x65: {  	_ =	shalt  }
0x66: {  	_ =	shalt  }
0x67: {  	_ =	shalt  }
0x68: {  	_ =	shalt  }
0x69: {  	_ =	shalt  }
0x6a: {  	_ =	shalt  }
0x6b: {  	_ =	shalt  }
0x6c: {  	_ =	shalt  }
0x6d: {  	_ =	shalt  }
0x6e: {  	_ =	shalt  }
0x6f: {  	_ =	shalt  }
0x70: {  	_ =	shalt  }
0x71: {  	_ =	shalt  }
0x72: {  	_ =	shalt  }
0x73: {  	_ =	shalt  }
0x74: {  	_ =	shalt  }
0x75: {  	_ =	shalt  }
0x76: {  	_ =	shalt  }
0x77: {  	_ =	shalt  }
0x78: {  	_ =	shalt  }
0x79: {  	_ =	shalt  }
0x7a: {  	_ =	shalt  }
0x7b: {  	_ =	shalt  }
0x7c: {  	_ =	shalt  }
0x7d: {  	_ =	shalt  }
0x7e: {  	_ =	shalt  }
0x7f: {  	_ =	shalt  }
0x80: {  	_ =	shalt  }
0x81: {  	_ =	shalt  }
0x82: {  	_ =	shalt  }
0x83: {  	_ =	shalt  }
0x84: {  	_ =	shalt  }
0x85: {  	_ =	shalt  }
0x86: {  	_ =	shalt  }
0x87: {  	_ =	shalt  }
.Lfunc_end0:
.L_simem_size_0:
called_computation.4_lowered:
.L_overlay_start_0:
0x88: {  	s2 =	sld [smem:$0x3FD9]  }
0x89: {  	s3 =	sld [smem:$0x3FFE];
	_ =	sdelay $0x1  }
0x8a: {  	s1 =	srdreg.scid  }
0x8b: {  	s0 =	sand.u32 $0x1, s1  }
0x8c: {  	s14 =	sshll.u32 s0, $0xA;
	s2 =	sadd.s32 s3, s2  }
0x8d: {  	s2 =	sadd.s32 s2, s14  }
0x8e: {  	[smem:$0x3FC6] =	sst s2  }
0x8f: {  	_ = 	snop  }
0x90: {  	s2 =	sld [smem:$0x3FD0];
	_ =	sdelay $0x2  }
0x91: {  	s15 =	simm.s32 $0xA;
	s4 =	simm.s32 $0x10  }
0x92: {  	[smem:s4], [sflag:s15] =	dma.local [hbm:s2], $0x1  }
0x93: {  	_ =	swait.eq [sflag:s15], $0x1  }
0x94: {  	[sflag:s15] =	ssyncset.done $0x0  }
0x95: {  	[sflag:s15] =	ssyncadd.s32 $0xFFFFFFFF  }
0x96: {  	s16 =	sld [smem:$0x10];
	(tm) =	ssettm $0x1  }
0x97: {  	s17 =	sld [smem:$0x3FFB];
	_ =	sdelay $0x3  }
0x98: {  	_ =	strace s17  }
0x99: {  	s3 =	sld [smem:$0x3FFC];
	_ =	sdelay $0x3  }
0x9a: {  	_ =	strace s3  }
0x9b: {  	s3 =	sld [smem:$0x3FFD];
	_ =	sdelay $0x3  }
0x9c: {  	_ =	strace s3  }
0x9d: {  	_ =	strace $0x8FFFFFFF  }
0x9e: {  	s18 =	sld [smem:$0x3FDB];
	_ =	sdelay $0x1  }
0x9f: {  	s19 =	simm.s32 $_scs_section_size  }
0xa0: {  	s5 =	simm.s32 $_size__tile_overlayer_lowered;
	s6 =	simm.s32 $_tile_overlayer_lowered  }
0xa1: {  	s22 =	simm.s32 $0x1BFF;
	s21 =	sshll.u32 s6, $0x1;
	s3 =	sadd.s32 s19, s18  }
0xa2: {  	s7 =	simm.s32 $0x0;
	s20 =	sshll.u32 s5, $0x1;
	s5 =	sadd.s32 s21, s3  }
0xa3: {  	[timem:s7], [sflag:s22] =	dma.local [hbm:s5], s20  }
0xa4: {  	_ =	swait.ge [sflag:s22], s20  }
0xa5: {  	s4 =	ssub.s32 $0x0, s20;
	[sflag:s22] =	ssyncset.done $0x0  }
0xa6: {  	[sflag:s22] =	ssyncadd.s32 s4;
	_ =	sdelay $0x1  }
0xa7: {  	s23 =	simm.s32 $0x1B8B  }
0xa8: {  	_ =	swait.ge [sflag:s23], $0x1  }
0xa9: {  	[sflag:s23] =	ssyncset.done $0x0  }
0xaa: {  	s25 =	simm.s32 $0x1B8E;
	s24 =	sld [smem:$0x3FFE];
	[sflag:s23] =	ssyncadd.s32 $0xFFFFFFFF  }
0xab: {  	s26 =	simm.s32 $execute0_lowered;
	[smem:$0x3FD2] =	sst s25  }
0xac: {  	s5 =	sshll.u32 s26, $0x1;
	_ =	strace $0x80000052;
	[dreg:$0x1] =	wrdreg $0xFFFFFFFF  }
0xad: {  	s28 =	simm.s32 $_size_execute0_lowered;
	s3 =	sadd.s32 s3, s5;
	[dreg:$0x0] =	wrdreg $0x0  }
0xae: {  	s5 =	sshll.u32 s28, $0x1;
	[dreg:$0x2] =	wrdreg s3  }
0xaf: {  	[dreg:$0x3] =	wrdreg s5  }
0xb0: {  	[dreg:$0x4] =	wrdreg $0xC0  }
0xb1: {  	_ =	task [dreg:s7], $0x5FFFF  }
0xb2: {  	[dreg:$0x1] =	wrdreg $0xFFFFFFFF  }
0xb3: {  	[dreg:$0x0] =	wrdreg $0x60  }
0xb4: {  	[dreg:$0x2] =	wrdreg s24  }
0xb5: {  	[dreg:$0x3] =	wrdreg s16  }
0xb6: {  	[dreg:$0x4] =	wrdreg $0x9  }
0xb7: {  	_ =	task.clear_ibuf [dreg:s7], $0x5FFFF;
	_ =	strace $0x90000052  }
0xb8: {  	s29 =	simm.s32 $0x9;
	_ =	strace $0x80000054  }
0xb9: {  	_ =	swait.ge [sflag:s29], $0x1  }
0xba: {  	[sflag:s29] =	ssyncadd.s32 $0xFFFFFFFF  }
0xbb: {  	_ =	strace $0x90000054  }
0xbc: {  	_ =	sfence  }
0xbd: {  	s30 =	sld [smem:$0x0];
	_ =	sdelay $0x2  }
0xbe: {  	s31 =	sshll.u32 s1, $0xD;
	s1 =	sshrl.u32 s1, $0x2  }
0xbf: {  	s3 =	sand.u32 $0x4000, s31;
	s1 =	sadd.s32 s1, s30  }
0xc0: {  	s0 =	sor.u32 s3, s0;
	s1 =	sshll.u32 s1, $0x11  }
0xc1: {  	s0 =	sor.u32 s1, s0  }
0xc2: {  	s0 =	sadd.s32 $0x8F2B, s0  }
0xc3: {  	[sflag:s0] =	ssyncadd.remote.s32 $0x1  }
0xc4: {  	_ =	sfence.sel $0xFFFF  }
0xc5: {  	[dreg:$0x0] =	wrdreg $0xFFFFFFFF;
	(pc) =	sbr.abs _section_cstart, $3  }
0xc6: {  	[dreg:$0x1] =	wrdreg $0xFFFFFFFF  }
0xc7: {  	_ =	task.clear_ibuf [dreg:s7], $0x2FFFF;
	_ =	strace $0x9FFFFFFF  }
0xc8: {  	(tm) =	ssettm $0x7FFFFFFF  }
0xc9: {  	_ =	shalt  }
tec
execute0_lowered:
.L_overlay_start_1:
0x0: {  	(tag) =	ssettag $0x1  }
0x1: {  	s1 =	srdreg.scid;
	s0 =	stileid.u32  }
0x2: {  	s10 =	sand.u32 $0x1, s1;
	s30 =	sshll.u32 s0, $0x1  }
0x3: {  	s5 =	rddreg [dreg:$0x0];
	s11 =	sor.u32 s10, s30  }
0x4: {  	s12 =	rddreg [dreg:$0x1];
	s3 =	smul.u32 $0x12, s11  }
0x5: {  	s2 =	simm.s32 $0x0;
	s1 =	rddreg [dreg:$0x2]  }
0x6: {  	[smem:$0x7FF] =	sst s2;
	s3 =	sadd.s32 s3, s5  }
0x7: {  	_ =	strace $0x80000053;
	s4 =	sadd.s32 $0x58600, s3;
	s3 =	simm.s32 $0x2  }
0x8: {  	[tilespmem:s2], [sflag:$0x2] =	stream.linear.gather [hbm4b:s4+s2], $0x90, $0x38;
	[tilespmem:$0x4900] =	vst v63  }
0x9: {  	_ =	swait.ge [sflag:s3], $0x90  }
0xa: {  	s6 =	simm.s32 $0x48;
	[sflag:s3] =	ssyncset.done $0x0  }
0xb: {  	s7 =	simm.s32 $0x100;
	s5 =	sadd.s32 $0x48000, s5;
	[sflag:s3] =	ssyncadd.s32 $0xFFFFFF70  }
0xc: {  	[tilespmem:s7], [sflag:$0x1] =	stream.indirect.gather [hbm4b:s5+s6], $0x80, s2, s6, $0xb8;
	[tilespmem:$0x4900] =	vst v63  }
0xd: {  	s8 =	simm.s32 $0x2500;
	s9 =	simm.s32 $0x1;
	s10 =	ssub.s32 $0x2, s10  }
0xe: {  	[tilespmem:s8], [sflag:$0x1] =	stream.indirect.gather [hbm4b:s5+s6], $0x80, s6, s6, $0xb8;
	[tilespmem:$0x4900] =	vst v63  }
0xf: {  	s13 =	sshrl.u32 s10, $0x1;
	_ =	swait.ge [sflag:s9], $0x2400  }
0x10: {  	s13 =	ssub.s32 s10, s13;
	[sflag:s9] =	ssyncset.done $0x0  }
0x11: {  	s31 =	smax.u32 s13, $0x1;
	[sflag:s9] =	ssyncadd.s32 $0xFFFFDC00  }
0x12: {  	s11 =	smul.u32 $0x900, s11;
	p0 =	sne.s32 s31, $0x1;
	_ =	swait.ge [sflag:s9], $0x2400  }
.Ltmp0:
0x13: {  	[sflag:s9] =	ssyncset.done $0x0;
	(pc) =	sbr.rel @!p0 .LBB2_2-.Ltmp0, $4  }
0x14: {  	s10 =	sadd.s32 s12, s11;
	[sflag:s9] =	ssyncadd.s32 $0xFFFFDC00  }
0x15: {  	[hbm4b:s10+s2] =	stream.linear.scatter [tilespmem:s7], [sflag:$0x2], $0x4800, $0x38;
	[tilespmem:$0x4900] =	vst v63  }
0x16: {  	_ =	swait.ge [sflag:s3], $0x4800  }
0x17: {  	s11 =	sadd.s32 $0xFFFFFFFF, s31;
	[sflag:s3] =	ssyncset.done $0x0  }
.LBB2_1:
0x18: {  	p0 =	sne.s32 s11, $0x1;
	s11 =	sadd.s32 $0xFFFFFFFF, s11;
	[sflag:s3] =	ssyncadd.s32 $0xFFFFB800  }
0x19: {  	[tilespmem:s2], [sflag:$0x2] =	stream.linear.gather [hbm4b:s4+s2], $0x90, $0x38;
	[tilespmem:$0x4900] =	vst v63  }
0x1a: {  	_ =	swait.ge [sflag:s3], $0x90  }
0x1b: {  	[sflag:s3] =	ssyncset.done $0x0  }
0x1c: {  	[sflag:s3] =	ssyncadd.s32 $0xFFFFFF70  }
0x1d: {  	[tilespmem:s7], [sflag:$0x1] =	stream.indirect.gather [hbm4b:s5+s6], $0x80, s2, s6, $0xb8;
	[tilespmem:$0x4900] =	vst v63  }
0x1e: {  	_ = 	snop  }
0x1f: {  	[tilespmem:s8], [sflag:$0x1] =	stream.indirect.gather [hbm4b:s5+s6], $0x80, s6, s6, $0xb8;
	[tilespmem:$0x4900] =	vst v63  }
0x20: {  	_ =	swait.ge [sflag:s9], $0x2400  }
0x21: {  	[sflag:s9] =	ssyncset.done $0x0  }
0x22: {  	[sflag:s9] =	ssyncadd.s32 $0xFFFFDC00  }
0x23: {  	_ =	swait.ge [sflag:s9], $0x2400  }
.Ltmp1:
0x24: {  	[sflag:s9] =	ssyncset.done $0x0;
	(pc) =	sbr.rel @p0 .LBB2_1-.Ltmp1, $4  }
0x25: {  	[sflag:s9] =	ssyncadd.s32 $0xFFFFDC00  }
0x26: {  	[hbm4b:s10+s2] =	stream.linear.scatter [tilespmem:s7], [sflag:$0x2], $0x4800, $0x38;
	[tilespmem:$0x4900] =	vst v63  }
0x27: {  	_ =	swait.ge [sflag:s3], $0x4800  }
0x28: {  	[sflag:s3] =	ssyncset.done $0x0  }
.LBB2_2:
0x29: {  	[sflag:s3] =	ssyncadd.s32 $0xFFFFB800  }
0x2a: {  	_ =	sfence.sel $0x180000  }
0x2b: {  	[bflag:$0x0] =	sbarrier.arrive $0xFFFF  }
0x2c: {  	p0 =	sne.s32 s0, $0x0;
	_ =	strace $0x90000053  }
0x2d: {  	s0 =	sadd.s32 @!p0 $0x100000, s1;
	[bflag:$0x2] =	sbarrier.arrive $0xFFFF  }
0x2e: {  	[sflag:s0] =	ssyncadd.tile.s32 @!p0 $0x1;
	_ =	shalt  }
.Lfunc_end2:
_tile_overlayer_lowered:
.L_overlay_start_2:
0x2f: {  	(tag) =	ssettag $0x2  }
0x30: {  	s0 =	rddreg [dreg:$0x0];
	s2 =	stileid.u32  }
0x31: {  	s1 =	rddreg [dreg:$0x1];
	p0 =	sne.s32 s2, $0x0  }
0x32: {  	s3 =	rddreg [dreg:$0x2];
	[bflag:$0x3] =	sbarrier.arrive $0xFFFF;
	s2 =	simm.s32 @!p0 $0x1C02  }
0x33: {  	[timem:s3], [sflag:s2] =	dma.local @!p0 [hbm:s0], s1  }
0x34: {  	s0 =	simm.s32 @!p0 $0x2  }
0x35: {  	_ =	swait.ge @!p0 [sflag:s0], s1  }
0x36: {  	s1 =	ssub.s32 @!p0 $0x0, s1;
	[sflag:s0] =	ssyncset.done @!p0 $0x0  }
0x37: {  	[sflag:s0] =	ssyncadd.s32 @!p0 s1  }
0x38: {  	[bflag:$0x3] =	sbarrier.arrive $0xFFFF  }
0x39: {  	_ =	shalt  }

// kernel: kernel.28.cloned.1.call-start
scs
__scs_entry_jumppad:
0x0: {  	(pc) =	sbr.rel $0x88, $3  }
0x1: {  	(tag) =	ssettag $0x0;
	lr =	simm.s32 $0x1  }
0x2: {  	[smem:$0x3F9F] =	sst lr;
	_ =	strace $0xD0000000  }
0x3: {  	_ = 	snop  }
0x4: {  	_ = 	snop  }
0x5: {  	_ = 	snop  }
0x6: {  	_ = 	snop  }
0x7: {  	_ = 	snop  }
__scs_overlays_trampoline_lowered:
0x8: {  	[smem:$0x3FAE] =	sst s0  }
0x9: {  	[smem:$0x3FAF] =	sst s1  }
0xa: {  	[smem:$0x3FB0] =	sst s2  }
0xb: {  	[smem:$0x3FB1] =	sst s3  }
0xc: {  	[smem:$0x3FB2] =	sst s4  }
0xd: {  	[smem:$0x3FB3] =	sst s5  }
0xe: {  	[smem:$0x3FB4] =	sst s6  }
0xf: {  	[smem:$0x3FB5] =	sst s7  }
0x10: {  	[smem:$0x3FB6] =	sst s8  }
0x11: {  	[smem:$0x3FB7] =	sst s9;
	s0 =	simm.s32 @!p0 $0x0  }
0x12: {  	s1 =	sld [smem:$0x3F9D];
	s0 =	simm.s32 @p0 $0x1  }
0x13: {  	[smem:$0x3FB8] =	sst s0;
	s0 =	simm.s32 @!p1 $0x0  }
0x14: {  	s2 =	sld [smem:$0x3F9C];
	s0 =	simm.s32 @p1 $0x1  }
0x15: {  	[smem:$0x3FB9] =	sst s0;
	s0 =	simm.s32 @!p2 $0x0  }
0x16: {  	s3 =	sld [smem:$0x3FDB];
	s0 =	simm.s32 @p2 $0x1  }
0x17: {  	s4 =	simm.s32 $0x1BF5;
	[smem:$0x3FBB] =	sst s0  }
0x18: {  	s0 =	sld [smem:$0x3F9E];
	_ =	swait.ge [sflag:s4], $0x0  }
0x19: {  	s7 =	sld [smem:$0x3F9F]  }
0x1a: {  	s8 =	sadd.s32 $0xFFFFE003, lr  }
0x1b: {  	s9 =	sadd.s32 $0xFFFFFEF7, lr;
	s5 =	simm.s32 $0xFFFFFFFF;
	p2 =	slt.u32 s8, $0xFFFFF086  }
0x1c: {  	p1 =	slt.u32 s9, $0xF7A;
	s5 =	simm.s32 @!p2 $0x0  }
0x1d: {  	s5 =	simm.s32 @p1 $0x1;
	p0 =	seq.s32 s7, s2  }
0x1e: {  	s7 =	smul.u32 @!p0 $0xF7A, s2;
	p2 =	seq.s32 @!p0 s5, $0x0  }
0x1f: {  	s9 =	smul.u32 $0xF7A, s1;
	s8 =	simm.s32 @!p0 $0x1BF5;
	p2 =	por !p2, p0  }
0x20: {  	[sflag:s8] =	ssyncset.s32 @!p0 $0xFFFFF086;
	s6 =	sadd.s32 @!p0 s3, s7;
	s7 =	simm.s32 @!p0 $0x108  }
0x21: {  	s3 =	sadd.s32 s3, s9;
	s6 =	sadd.s32 @!p0 $0x88, s6;
	s7 =	simm.s32 @p2 $0x1082  }
0x22: {  	[simem:s7], [sflag:s8] =	dma.local @!p0 [hbm:s6], $0xF7A  }
0x23: {  	s9 =	sor.u32 $0xD0000000, s2;
	s6 =	simm.s32 $0x108;
	_ =	swait.ge @!p0 [sflag:s8], $0x0  }
0x24: {  	s3 =	sadd.s32 $0x88, s3;
	s6 =	simm.s32 @!p1 $0x1082;
	[sflag:s4] =	ssyncset.s32 $0xFFFFF086  }
0x25: {  	[simem:s6], [sflag:s4] =	dma.local [hbm:s3], $0xF7A  }
0x26: {  	[smem:$0x3F9F] =	sst s1;
	(tag) =	ssettag s2;
	_ =	strace s9  }
0x27: {  	s1 =	sld [smem:$0x3FAF]  }
0x28: {  	s2 =	sld [smem:$0x3FB0]  }
0x29: {  	s4 =	sld [smem:$0x3FB2]  }
0x2a: {  	p0 =	seq.s32 s5, $0x0;
	s5 =	sld [smem:$0x3FB3]  }
0x2b: {  	s6 =	sld [smem:$0x3FB4]  }
0x2c: {  	s7 =	sld [smem:$0x3FB5]  }
0x2d: {  	s3 =	simm.s32 $0x108;
	s8 =	sld [smem:$0x3FB6]  }
0x2e: {  	s3 =	simm.s32 @!p0 $0x1082;
	s9 =	sld [smem:$0x3FB7]  }
0x2f: {  	lr =	sadd.s32 s0, s3;
	s0 =	sld [smem:$0x3FAE]  }
0x30: {  	s3 =	sld [smem:$0x3FB1]  }
0x31: {  	[smem:$0x3FBA] =	sst s10  }
0x32: {  	s10 =	sld [smem:$0x3FB8];
	_ =	sdelay $0x3  }
0x33: {  	p0 =	seq.s32 s10, $0x1;
	s10 =	sld [smem:$0x3FBA];
	_ =	sdelay $0x3  }
0x34: {  	[smem:$0x3FBA] =	sst s10  }
0x35: {  	s10 =	sld [smem:$0x3FB9];
	_ =	sdelay $0x3  }
0x36: {  	p1 =	seq.s32 s10, $0x1;
	s10 =	sld [smem:$0x3FBA];
	_ =	sdelay $0x3  }
0x37: {  	[smem:$0x3FBA] =	sst s10  }
0x38: {  	s10 =	sld [smem:$0x3FBB]  }
0x39: {  	_ = 	snop;
	(pc) =	sbr.ind lr, $3  }
0x3a: {  	_ = 	snop  }
0x3b: {  	_ = 	snop  }
0x3c: {  	p2 =	seq.s32 s10, $0x1;
	s10 =	sld [smem:$0x3FBA]  }
0x3d: {  	_ =	shalt  }
0x3e: {  	_ =	shalt  }
0x3f: {  	_ =	shalt  }
0x40: {  	_ =	shalt  }
0x41: {  	_ =	shalt  }
0x42: {  	_ =	shalt  }
0x43: {  	_ =	shalt  }
0x44: {  	_ =	shalt  }
0x45: {  	_ =	shalt  }
0x46: {  	_ =	shalt  }
0x47: {  	_ =	shalt  }
0x48: {  	_ =	shalt  }
0x49: {  	_ =	shalt  }
0x4a: {  	_ =	shalt  }
0x4b: {  	_ =	shalt  }
0x4c: {  	_ =	shalt  }
0x4d: {  	_ =	shalt  }
0x4e: {  	_ =	shalt  }
0x4f: {  	_ =	shalt  }
0x50: {  	_ =	shalt  }
0x51: {  	_ =	shalt  }
0x52: {  	_ =	shalt  }
0x53: {  	_ =	shalt  }
0x54: {  	_ =	shalt  }
0x55: {  	_ =	shalt  }
0x56: {  	_ =	shalt  }
0x57: {  	_ =	shalt  }
0x58: {  	_ =	shalt  }
0x59: {  	_ =	shalt  }
0x5a: {  	_ =	shalt  }
0x5b: {  	_ =	shalt  }
0x5c: {  	_ =	shalt  }
0x5d: {  	_ =	shalt  }
0x5e: {  	_ =	shalt  }
0x5f: {  	_ =	shalt  }
0x60: {  	_ =	shalt  }
0x61: {  	_ =	shalt  }
0x62: {  	_ =	shalt  }
0x63: {  	_ =	shalt  }
0x64: {  	_ =	shalt  }
0x65: {  	_ =	shalt  }
0x66: {  	_ =	shalt  }
0x67: {  	_ =	shalt  }
0x68: {  	_ =	shalt  }
0x69: {  	_ =	shalt  }
0x6a: {  	_ =	shalt  }
0x6b: {  	_ =	shalt  }
0x6c: {  	_ =	shalt  }
0x6d: {  	_ =	shalt  }
0x6e: {  	_ =	shalt  }
0x6f: {  	_ =	shalt  }
0x70: {  	_ =	shalt  }
0x71: {  	_ =	shalt  }
0x72: {  	_ =	shalt  }
0x73: {  	_ =	shalt  }
0x74: {  	_ =	shalt  }
0x75: {  	_ =	shalt  }
0x76: {  	_ =	shalt  }
0x77: {  	_ =	shalt  }
0x78: {  	_ =	shalt  }
0x79: {  	_ =	shalt  }
0x7a: {  	_ =	shalt  }
0x7b: {  	_ =	shalt  }
0x7c: {  	_ =	shalt  }
0x7d: {  	_ =	shalt  }
0x7e: {  	_ =	shalt  }
0x7f: {  	_ =	shalt  }
0x80: {  	_ =	shalt  }
0x81: {  	_ =	shalt  }
0x82: {  	_ =	shalt  }
0x83: {  	_ =	shalt  }
0x84: {  	_ =	shalt  }
0x85: {  	_ =	shalt  }
0x86: {  	_ =	shalt  }
0x87: {  	_ =	shalt  }
.Lfunc_end0:
.L_simem_size_0:
called_computation.5_lowered:
.L_overlay_start_0:
0x88: {  	s2 =	sld [smem:$0x3FD9]  }
0x89: {  	s3 =	sld [smem:$0x3FFE];
	_ =	sdelay $0x1  }
0x8a: {  	s1 =	srdreg.scid  }
0x8b: {  	s0 =	sand.u32 $0x1, s1  }
0x8c: {  	s14 =	sshll.u32 s0, $0xA;
	s2 =	sadd.s32 s3, s2  }
0x8d: {  	s2 =	sadd.s32 s2, s14  }
0x8e: {  	[smem:$0x3FC6] =	sst s2  }
0x8f: {  	_ = 	snop  }
0x90: {  	s2 =	sld [smem:$0x3FD0];
	_ =	sdelay $0x2  }
0x91: {  	s15 =	simm.s32 $0xA;
	s4 =	simm.s32 $0x10  }
0x92: {  	[smem:s4], [sflag:s15] =	dma.local [hbm:s2], $0x1  }
0x93: {  	_ =	swait.eq [sflag:s15], $0x1  }
0x94: {  	[sflag:s15] =	ssyncset.done $0x0  }
0x95: {  	[sflag:s15] =	ssyncadd.s32 $0xFFFFFFFF  }
0x96: {  	s16 =	sld [smem:$0x10];
	(tm) =	ssettm $0x1  }
0x97: {  	s17 =	sld [smem:$0x3FFB];
	_ =	sdelay $0x3  }
0x98: {  	_ =	strace s17  }
0x99: {  	s3 =	sld [smem:$0x3FFC];
	_ =	sdelay $0x3  }
0x9a: {  	_ =	strace s3  }
0x9b: {  	s3 =	sld [smem:$0x3FFD];
	_ =	sdelay $0x3  }
0x9c: {  	_ =	strace s3  }
0x9d: {  	_ =	strace $0x8FFFFFFF  }
0x9e: {  	s18 =	sld [smem:$0x3FDB];
	_ =	sdelay $0x1  }
0x9f: {  	s19 =	simm.s32 $_scs_section_size  }
0xa0: {  	s5 =	simm.s32 $_size__tile_overlayer_lowered;
	s6 =	simm.s32 $_tile_overlayer_lowered  }
0xa1: {  	s22 =	simm.s32 $0x1BFF;
	s21 =	sshll.u32 s6, $0x1;
	s3 =	sadd.s32 s19, s18  }
0xa2: {  	s7 =	simm.s32 $0x0;
	s20 =	sshll.u32 s5, $0x1;
	s5 =	sadd.s32 s21, s3  }
0xa3: {  	[timem:s7], [sflag:s22] =	dma.local [hbm:s5], s20  }
0xa4: {  	_ =	swait.ge [sflag:s22], s20  }
0xa5: {  	s4 =	ssub.s32 $0x0, s20;
	[sflag:s22] =	ssyncset.done $0x0  }
0xa6: {  	[sflag:s22] =	ssyncadd.s32 s4;
	_ =	sdelay $0x1  }
0xa7: {  	s23 =	simm.s32 $0x1B8B  }
0xa8: {  	_ =	swait.ge [sflag:s23], $0x1  }
0xa9: {  	[sflag:s23] =	ssyncset.done $0x0  }
0xaa: {  	s25 =	simm.s32 $0x1B8E;
	s24 =	sld [smem:$0x3FFE];
	[sflag:s23] =	ssyncadd.s32 $0xFFFFFFFF  }
0xab: {  	s26 =	simm.s32 $execute0_lowered;
	[smem:$0x3FD2] =	sst s25  }
0xac: {  	s5 =	sshll.u32 s26, $0x1;
	_ =	strace $0x80000055;
	[dreg:$0x1] =	wrdreg $0xFFFFFFFF  }
0xad: {  	s28 =	simm.s32 $_size_execute0_lowered;
	s3 =	sadd.s32 s3, s5;
	[dreg:$0x0] =	wrdreg $0x0  }
0xae: {  	s5 =	sshll.u32 s28, $0x1;
	[dreg:$0x2] =	wrdreg s3  }
0xaf: {  	[dreg:$0x3] =	wrdreg s5  }
0xb0: {  	[dreg:$0x4] =	wrdreg $0xC0  }
0xb1: {  	_ =	task [dreg:s7], $0x5FFFF  }
0xb2: {  	[dreg:$0x1] =	wrdreg $0xFFFFFFFF  }
0xb3: {  	[dreg:$0x0] =	wrdreg $0x60  }
0xb4: {  	[dreg:$0x2] =	wrdreg s24  }
0xb5: {  	[dreg:$0x3] =	wrdreg s16  }
0xb6: {  	[dreg:$0x4] =	wrdreg $0x9  }
0xb7: {  	_ =	task.clear_ibuf [dreg:s7], $0x5FFFF;
	_ =	strace $0x90000055  }
0xb8: {  	s29 =	simm.s32 $0x9;
	_ =	strace $0x80000057  }
0xb9: {  	_ =	swait.ge [sflag:s29], $0x1  }
0xba: {  	[sflag:s29] =	ssyncadd.s32 $0xFFFFFFFF  }
0xbb: {  	_ =	strace $0x90000057  }
0xbc: {  	_ =	sfence  }
0xbd: {  	s30 =	sld [smem:$0x0];
	_ =	sdelay $0x2  }
0xbe: {  	s31 =	sshll.u32 s1, $0xD;
	s1 =	sshrl.u32 s1, $0x2  }
0xbf: {  	s3 =	sand.u32 $0x4000, s31;
	s1 =	sadd.s32 s1, s30  }
0xc0: {  	s0 =	sor.u32 s3, s0;
	s1 =	sshll.u32 s1, $0x11  }
0xc1: {  	s0 =	sor.u32 s1, s0  }
0xc2: {  	s0 =	sadd.s32 $0x8F2B, s0  }
0xc3: {  	[sflag:s0] =	ssyncadd.remote.s32 $0x1  }
0xc4: {  	_ =	sfence.sel $0xFFFF  }
0xc5: {  	[dreg:$0x0] =	wrdreg $0xFFFFFFFF;
	(pc) =	sbr.abs _section_cstart, $3  }
0xc6: {  	[dreg:$0x1] =	wrdreg $0xFFFFFFFF  }
0xc7: {  	_ =	task.clear_ibuf [dreg:s7], $0x2FFFF;
	_ =	strace $0x9FFFFFFF  }
0xc8: {  	(tm) =	ssettm $0x7FFFFFFF  }
0xc9: {  	_ =	shalt  }
tec
execute0_lowered:
.L_overlay_start_1:
0x0: {  	(tag) =	ssettag $0x1  }
0x1: {  	s1 =	srdreg.scid;
	s0 =	stileid.u32  }
0x2: {  	s18 =	rddreg [dreg:$0x0];
	s19 =	sand.u32 $0x1, s1;
	s31 =	sshll.u32 s0, $0x1  }
0x3: {  	s3 =	rddreg [dreg:$0x1];
	s20 =	sor.u32 s19, s31  }
0x4: {  	s2 =	simm.s32 $0x0;
	s1 =	rddreg [dreg:$0x2];
	s4 =	smul.u32 $0x48, s20  }
0x5: {  	[smem:$0x7FF] =	sst s2  }
0x6: {  	_ =	strace $0x80000056;
	s4 =	sadd.s32 s3, s4;
	s3 =	simm.s32 $0x2  }
0x7: {  	[tilespmem:s2], [sflag:$0x2] =	stream.linear.gather [hbm4b:s4+s2], $0x240, $0x38;
	[tilespmem:$0x12280] =	vst v63  }
0x8: {  	_ =	swait.ge [sflag:s3], $0x240  }
0x9: {  	s6 =	simm.s32 $0x60;
	[sflag:s3] =	ssyncset.done $0x0  }
0xa: {  	s7 =	simm.s32 $0x280;
	s5 =	sadd.s32 $0x48000, s18;
	[sflag:s3] =	ssyncadd.s32 $0xFFFFFDC0  }
0xb: {  	[tilespmem:s7], [sflag:$0x1] =	stream.indirect.gather [hbm4b:s5+s6], $0x80, s2, s6, $0xb8;
	[tilespmem:$0x12280] =	vst v63  }
0xc: {  	s8 =	simm.s32 $0x3280  }
0xd: {  	[tilespmem:s8], [sflag:$0x1] =	stream.indirect.gather [hbm4b:s5+s6], $0x80, s6, s6, $0xb8;
	[tilespmem:$0x12280] =	vst v63  }
0xe: {  	s9 =	simm.s32 $0xC0;
	s10 =	simm.s32 $0x6280  }
0xf: {  	[tilespmem:s10], [sflag:$0x1] =	stream.indirect.gather [hbm4b:s5+s6], $0x80, s9, s6, $0xb8;
	[tilespmem:$0x12280] =	vst v63  }
0x10: {  	s11 =	simm.s32 $0x120;
	s12 =	simm.s32 $0x9280  }
0x11: {  	[tilespmem:s12], [sflag:$0x1] =	stream.indirect.gather [hbm4b:s5+s6], $0x80, s11, s6, $0xb8;
	[tilespmem:$0x12280] =	vst v63  }
0x12: {  	s13 =	simm.s32 $0x180;
	s14 =	simm.s32 $0xC280  }
0x13: {  	[tilespmem:s14], [sflag:$0x1] =	stream.indirect.gather [hbm4b:s5+s6], $0x80, s13, s6, $0xb8;
	[tilespmem:$0x12280] =	vst v63  }
0x14: {  	s15 =	simm.s32 $0x1E0;
	s16 =	simm.s32 $0xF280;
	s17 =	simm.s32 $0x1  }
0x15: {  	[tilespmem:s16], [sflag:$0x1] =	stream.indirect.gather [hbm4b:s5+s6], $0x80, s15, s6, $0xb8;
	[tilespmem:$0x12280] =	vst v63  }
0x16: {  	_ =	swait.ge [sflag:s17], $0x3000  }
0x17: {  	[sflag:s17] =	ssyncset.done $0x0  }
0x18: {  	[sflag:s17] =	ssyncadd.s32 $0xFFFFD000  }
0x19: {  	_ =	swait.ge [sflag:s17], $0x3000  }
0x1a: {  	[sflag:s17] =	ssyncset.done $0x0  }
0x1b: {  	[sflag:s17] =	ssyncadd.s32 $0xFFFFD000  }
0x1c: {  	_ =	swait.ge [sflag:s17], $0x3000  }
0x1d: {  	[sflag:s17] =	ssyncset.done $0x0  }
0x1e: {  	[sflag:s17] =	ssyncadd.s32 $0xFFFFD000  }
0x1f: {  	_ =	swait.ge [sflag:s17], $0x3000  }
0x20: {  	[sflag:s17] =	ssyncset.done $0x0  }
0x21: {  	s19 =	ssub.s32 $0x2, s19;
	[sflag:s17] =	ssyncadd.s32 $0xFFFFD000  }
0x22: {  	s21 =	sshrl.u32 s19, $0x1;
	_ =	swait.ge [sflag:s17], $0x3000  }
0x23: {  	s19 =	ssub.s32 s19, s21;
	[sflag:s17] =	ssyncset.done $0x0  }
0x24: {  	s20 =	smul.u32 $0x2400, s20;
	s19 =	smax.u32 s19, $0x1;
	[sflag:s17] =	ssyncadd.s32 $0xFFFFD000  }
0x25: {  	p0 =	sne.s32 s19, $0x1;
	_ =	swait.ge [sflag:s17], $0x3000  }
.Ltmp0:
0x26: {  	s18 =	sadd.s32 s20, s18;
	[sflag:s17] =	ssyncset.done $0x0;
	(pc) =	sbr.rel @!p0 .LBB2_2-.Ltmp0, $4  }
0x27: {  	s18 =	sadd.s32 $0x58600, s18;
	[sflag:s17] =	ssyncadd.s32 $0xFFFFD000  }
0x28: {  	[hbm4b:s18+s2] =	stream.linear.scatter [tilespmem:s7], [sflag:$0x2], $0x12000, $0x38;
	[tilespmem:$0x12280] =	vst v63  }
0x29: {  	_ =	swait.ge [sflag:s3], $0x12000  }
0x2a: {  	s19 =	sadd.s32 $0xFFFFFFFF, s19;
	[sflag:s3] =	ssyncset.done $0x0  }
.LBB2_1:
0x2b: {  	p0 =	sne.s32 s19, $0x1;
	s19 =	sadd.s32 $0xFFFFFFFF, s19;
	[sflag:s3] =	ssyncadd.s32 $0xFFFEE000  }
0x2c: {  	[tilespmem:s2], [sflag:$0x2] =	stream.linear.gather [hbm4b:s4+s2], $0x240, $0x38;
	[tilespmem:$0x12280] =	vst v63  }
0x2d: {  	_ =	swait.ge [sflag:s3], $0x240  }
0x2e: {  	[sflag:s3] =	ssyncset.done $0x0  }
0x2f: {  	[sflag:s3] =	ssyncadd.s32 $0xFFFFFDC0  }
0x30: {  	[tilespmem:s7], [sflag:$0x1] =	stream.indirect.gather [hbm4b:s5+s6], $0x80, s2, s6, $0xb8;
	[tilespmem:$0x12280] =	vst v63  }
0x31: {  	_ = 	snop  }
0x32: {  	[tilespmem:s8], [sflag:$0x1] =	stream.indirect.gather [hbm4b:s5+s6], $0x80, s6, s6, $0xb8;
	[tilespmem:$0x12280] =	vst v63  }
0x33: {  	_ = 	snop  }
0x34: {  	[tilespmem:s10], [sflag:$0x1] =	stream.indirect.gather [hbm4b:s5+s6], $0x80, s9, s6, $0xb8;
	[tilespmem:$0x12280] =	vst v63  }
0x35: {  	_ = 	snop  }
0x36: {  	[tilespmem:s12], [sflag:$0x1] =	stream.indirect.gather [hbm4b:s5+s6], $0x80, s11, s6, $0xb8;
	[tilespmem:$0x12280] =	vst v63  }
0x37: {  	_ = 	snop  }
0x38: {  	[tilespmem:s14], [sflag:$0x1] =	stream.indirect.gather [hbm4b:s5+s6], $0x80, s13, s6, $0xb8;
	[tilespmem:$0x12280] =	vst v63  }
0x39: {  	_ = 	snop  }
0x3a: {  	[tilespmem:s16], [sflag:$0x1] =	stream.indirect.gather [hbm4b:s5+s6], $0x80, s15, s6, $0xb8;
	[tilespmem:$0x12280] =	vst v63  }
0x3b: {  	_ =	swait.ge [sflag:s17], $0x3000  }
0x3c: {  	[sflag:s17] =	ssyncset.done $0x0  }
0x3d: {  	[sflag:s17] =	ssyncadd.s32 $0xFFFFD000  }
0x3e: {  	_ =	swait.ge [sflag:s17], $0x3000  }
0x3f: {  	[sflag:s17] =	ssyncset.done $0x0  }
0x40: {  	[sflag:s17] =	ssyncadd.s32 $0xFFFFD000  }
0x41: {  	_ =	swait.ge [sflag:s17], $0x3000  }
0x42: {  	[sflag:s17] =	ssyncset.done $0x0  }
0x43: {  	[sflag:s17] =	ssyncadd.s32 $0xFFFFD000  }
0x44: {  	_ =	swait.ge [sflag:s17], $0x3000  }
0x45: {  	[sflag:s17] =	ssyncset.done $0x0  }
0x46: {  	[sflag:s17] =	ssyncadd.s32 $0xFFFFD000  }
0x47: {  	_ =	swait.ge [sflag:s17], $0x3000  }
0x48: {  	[sflag:s17] =	ssyncset.done $0x0  }
0x49: {  	[sflag:s17] =	ssyncadd.s32 $0xFFFFD000  }
0x4a: {  	_ =	swait.ge [sflag:s17], $0x3000  }
.Ltmp1:
0x4b: {  	[sflag:s17] =	ssyncset.done $0x0;
	(pc) =	sbr.rel @p0 .LBB2_1-.Ltmp1, $4  }
0x4c: {  	[sflag:s17] =	ssyncadd.s32 $0xFFFFD000  }
0x4d: {  	[hbm4b:s18+s2] =	stream.linear.scatter [tilespmem:s7], [sflag:$0x2], $0x12000, $0x38;
	[tilespmem:$0x12280] =	vst v63  }
0x4e: {  	_ =	swait.ge [sflag:s3], $0x12000  }
0x4f: {  	[sflag:s3] =	ssyncset.done $0x0  }
.LBB2_2:
0x50: {  	[sflag:s3] =	ssyncadd.s32 $0xFFFEE000  }
0x51: {  	_ =	sfence.sel $0x180000  }
0x52: {  	[bflag:$0x0] =	sbarrier.arrive $0xFFFF  }
0x53: {  	p0 =	sne.s32 s0, $0x0;
	_ =	strace $0x90000056  }
0x54: {  	s0 =	sadd.s32 @!p0 $0x100000, s1;
	[bflag:$0x2] =	sbarrier.arrive $0xFFFF  }
0x55: {  	[sflag:s0] =	ssyncadd.tile.s32 @!p0 $0x1;
	_ =	shalt  }
.Lfunc_end2:
_tile_overlayer_lowered:
.L_overlay_start_2:
0x56: {  	(tag) =	ssettag $0x2  }
0x57: {  	s0 =	rddreg [dreg:$0x0];
	s2 =	stileid.u32  }
0x58: {  	s1 =	rddreg [dreg:$0x1];
	p0 =	sne.s32 s2, $0x0  }
0x59: {  	s3 =	rddreg [dreg:$0x2];
	[bflag:$0x3] =	sbarrier.arrive $0xFFFF;
	s2 =	simm.s32 @!p0 $0x1C02  }
0x5a: {  	[timem:s3], [sflag:s2] =	dma.local @!p0 [hbm:s0], s1  }
0x5b: {  	s0 =	simm.s32 @!p0 $0x2  }
0x5c: {  	_ =	swait.ge @!p0 [sflag:s0], s1  }
0x5d: {  	s1 =	ssub.s32 @!p0 $0x0, s1;
	[sflag:s0] =	ssyncset.done @!p0 $0x0  }
0x5e: {  	[sflag:s0] =	ssyncadd.s32 @!p0 s1  }
0x5f: {  	[bflag:$0x3] =	sbarrier.arrive $0xFFFF  }
0x60: {  	_ =	shalt  }

</sc_bundles>
